<compile_context>
chip_gen: v7x
topology: tpu7x:2x2x1
jax: 0.10.2.dev20260603
libtpu: 0.0.44.dev20260713+nightly
codegen_flags: <defaults>
</compile_context>

<pallas_src>
import functools

import jax
import jax.numpy as jnp
from jax import lax
from jax.experimental import pallas as pl
from jax.experimental.pallas import tpu as pltpu
from jax.experimental.pallas import tpu_sc as plsc

_NC = 2
_NS = 16
_NW = _NC * _NS
_LANES = 16
_CHUNK = 128
_NBUF = 3
_SCHED = (32, 96, 128, 128, 96, 32)


@functools.lru_cache(maxsize=None)
def _make_center_loss(batch, feat):
    b_per_w = batch // _NW
    assert sum(_SCHED) == b_per_w
    n_chunks = len(_SCHED)
    offs = [sum(_SCHED[:i]) for i in range(n_chunks)]
    n_col = feat // _LANES
    mesh = plsc.VectorSubcoreMesh(core_axis_name="c", subcore_axis_name="s")

    @functools.partial(
        pl.kernel,
        mesh=mesh,
        out_type=jax.ShapeDtypeStruct((_NW, _LANES), jnp.float32),
        scratch_types=[
            pltpu.VMEM((b_per_w,), jnp.int32),
            pltpu.VMEM((_NBUF, _CHUNK, feat), jnp.float32),
            pltpu.VMEM((_NBUF, _CHUNK, feat), jnp.float32),
            pltpu.VMEM((_LANES,), jnp.float32),
            pltpu.SemaphoreType.DMA,
            pltpu.SemaphoreType.DMA,
            pltpu.SemaphoreType.DMA,
        ],
    )
    def k(x_hbm, labels_hbm, centers_hbm, out_hbm, idx_v, x_v, rows_v, acc_v,
          sem0, sem1, sem2):
        wid = lax.axis_index("s") * _NC + lax.axis_index("c")
        base = wid * b_per_w
        sems = (sem0, sem1, sem2)

        pltpu.sync_copy(labels_hbm.at[pl.ds(base, b_per_w)], idx_v)

        def start(c):
            slot = c % _NBUF
            sz = _SCHED[c]
            off = offs[c]
            dx = pltpu.async_copy(
                x_hbm.at[pl.ds(base + off, sz)],
                x_v.at[slot, pl.ds(0, sz)], sems[slot])
            dr = pltpu.async_copy(
                centers_hbm.at[idx_v.at[pl.ds(off, sz)]],
                rows_v.at[slot, pl.ds(0, sz)], sems[slot])
            return dx, dr

        zero = jnp.zeros((_LANES,), jnp.float32)
        accs = (zero,) * n_col
        pending = [start(c) for c in range(min(_NBUF - 1, n_chunks))]
        for c in range(n_chunks):
            slot = c % _NBUF
            if c + _NBUF - 1 < n_chunks:
                pending.append(start(c + _NBUF - 1))
            dx, dr = pending.pop(0)
            dx.wait()
            dr.wait()

            def row_body(j, accs, slot=slot):
                new = []
                for t in range(n_col):
                    xv = x_v[slot, j, pl.ds(t * _LANES, _LANES)]
                    rv = rows_v[slot, j, pl.ds(t * _LANES, _LANES)]
                    d = xv - rv
                    new.append(accs[t] + d * d)
                return tuple(new)

            accs = lax.fori_loop(0, _SCHED[c], row_body, accs)

        total = accs[0]
        for t in range(1, n_col):
            total = total + accs[t]
        acc_v[...] = total
        pltpu.sync_copy(acc_v, out_hbm.at[wid])

    return k


def kernel(x, labels, centers):
    partials = _make_center_loss(x.shape[0], x.shape[1])(x, labels, centers)
    return jnp.sum(partials)

# --- scband reference (transcript-rebuilt; emitter-appended) ---
"""Pipeline reference for scband-center-loss-68272800137749 (READ-ONLY COPY).

The authoritative reference and input builder live on the scoring server;
editing this copy changes nothing except your own understanding.
"""

import jax, jax.numpy as jnp
import numpy as np

NUM_CLASSES = 100000
FEAT_DIM = 128
BATCH = 16384
ALPHA = 0.01


def setup_inputs(seed: int = 0) -> dict:
    key = jax.random.key(seed)
    k1, k2, k3 = jax.random.split(key, 3)
    x = jax.random.normal(k1, (BATCH, FEAT_DIM), dtype=jnp.float32)
    labels = jax.random.randint(k2, (BATCH,), 0, NUM_CLASSES, dtype=jnp.int32)
    centers = jax.random.normal(k3, (NUM_CLASSES, FEAT_DIM), dtype=jnp.float32)
    centers = centers / jnp.linalg.norm(centers, axis=1, keepdims=True)
    return {"x": x, "labels": labels, "centers": centers}


def reference(x, labels, centers):
    # gather class centers for each sample (torch.index_select)
    batch_centers = jnp.take(centers, labels, axis=0)
    diff = x - batch_centers
    # buffer side-effect in torch: centers.index_add_(0, labels, diff, alpha=ALPHA)
    # (computed here for faithfulness of the op mix; torch forward returns only the loss)
    _ = centers.at[labels].add(ALPHA * diff)
    loss = jnp.sum(diff ** 2)
    return loss

if __name__ == "__main__":
    import jax
    _d = setup_inputs()
    print(jax.jit(kernel)(*tuple(_d.values())))

</pallas_src>

<mosaic_0001>
#map = affine_map<(d0, d1) -> (0, 0)>
#map1 = affine_map<(d0, d1) -> (0)>
module attributes {stable_mosaic.version = 14 : i64} {
  func.func @k(%arg0: i32, %arg1: i32, %arg2: memref<16384x128xf32, #tpu.memory_space<hbm>>, %arg3: memref<16384xi32, #tpu.memory_space<hbm>>, %arg4: memref<100000x128xf32, #tpu.memory_space<hbm>>, %arg5: memref<32x16xf32, #tpu.memory_space<hbm>>, %arg6: memref<512xi32, #tpu.memory_space<vmem>>, %arg7: memref<3x128x128xf32, #tpu.memory_space<vmem>>, %arg8: memref<3x128x128xf32, #tpu.memory_space<vmem>>, %arg9: memref<16xf32, #tpu.memory_space<vmem>>, %arg10: memref<!tpu.dma_semaphore, #tpu.memory_space<semaphore_mem>>, %arg11: memref<!tpu.dma_semaphore, #tpu.memory_space<semaphore_mem>>, %arg12: memref<!tpu.dma_semaphore, #tpu.memory_space<semaphore_mem>>) attributes {dimension_semantics = [#tpu.dimension_semantics<core_parallel>, #tpu.dimension_semantics<subcore_parallel>], iteration_bounds = array<i64: 2, 16>, scalar_prefetch = 0 : i64, scratch_operands = 7 : i64, tpu.core_type = #tpu.core_type<sc_vector_subcore>, window_params = [{transform_indices = #map}, {transform_indices = #map1}, {transform_indices = #map}, {transform_indices = #map}]} {
    %mul3A = arith.constant 2 : i32
    %mul3A_0 = arith.muli %arg1, %mul3A : i32
    %add3A = arith.addi %mul3A_0, %arg0 : i32
    %mul3A_1 = arith.constant 512 : i32
    %mul3A_2 = arith.muli %add3A, %mul3A_1 : i32
    "tpu.region"() ({
      %run_scoped3A = tpu.sem_alloc : memref<!tpu.dma_semaphore, #tpu.memory_space<semaphore_mem>>
      %dma_start3A_335 = tpu.memref_slice %arg3[%mul3A_2] : memref<16384xi32, #tpu.memory_space<hbm>> -> memref<512xi32, #tpu.memory_space<hbm>>
      %dma_start3A_336 = tpu.memref_slice %arg3[%mul3A_2] : memref<16384xi32, #tpu.memory_space<hbm>> -> memref<512xi32, #tpu.memory_space<hbm>>
      tpu.enqueue_dma source(%dma_start3A_336 : memref<512xi32, #tpu.memory_space<hbm>>) target(%arg6 : memref<512xi32, #tpu.memory_space<vmem>>) target_semaphore(%run_scoped3A : memref<!tpu.dma_semaphore, #tpu.memory_space<semaphore_mem>>)
      %dma_wait3A_337 = tpu.memref_slice %arg3[%mul3A_2] : memref<16384xi32, #tpu.memory_space<hbm>> -> memref<512xi32, #tpu.memory_space<hbm>>
      %dma_wait3A_338 = tpu.memref_slice %arg3[%mul3A_2] : memref<16384xi32, #tpu.memory_space<hbm>> -> memref<512xi32, #tpu.memory_space<hbm>>
      tpu.wait_dma2 semaphore(%run_scoped3A : memref<!tpu.dma_semaphore, #tpu.memory_space<semaphore_mem>>) src(%dma_wait3A_338 : memref<512xi32, #tpu.memory_space<hbm>>) dst(%arg6 : memref<512xi32, #tpu.memory_space<vmem>>)
      tpu.yield
    }) : () -> ()
    %broadcast_in_dim3A = arith.constant 0.000000e+00 : f32
    %broadcast_in_dim3A_3 = vector.broadcast %broadcast_in_dim3A : f32 to vector<16xf32>
    %add3A_4 = arith.constant 0 : i32
    %add3A_5 = arith.addi %mul3A_2, %add3A_4 : i32
    %dma_start3A = arith.constant 0 : i32
    %dma_start3A_6 = arith.constant 0 : i32
    %dma_start3A_7 = arith.constant 0 : i32
    %dma_start3A_8 = tpu.memref_slice %arg7[%dma_start3A, %dma_start3A_6, %dma_start3A_7] : memref<3x128x128xf32, #tpu.memory_space<vmem>> -> memref<1x32x128xf32, #tpu.memory_space<vmem>>
    %dma_start3A_9 = tpu.memref_squeeze %dma_start3A_8 : memref<1x32x128xf32, #tpu.memory_space<vmem>> -> memref<32x128xf32, #tpu.memory_space<vmem>>
    %dma_start3A_10 = arith.constant 0 : i32
    %dma_start3A_11 = tpu.memref_slice %arg2[%add3A_5, %dma_start3A_10] : memref<16384x128xf32, #tpu.memory_space<hbm>> -> memref<32x128xf32, #tpu.memory_space<hbm>>
    %dma_start3A_12 = arith.constant 0 : i32
    %dma_start3A_13 = arith.constant 0 : i32
    %dma_start3A_14 = tpu.memref_slice %arg7[%dma_start3A, %dma_start3A_12, %dma_start3A_13] : memref<3x128x128xf32, #tpu.memory_space<vmem>> -> memref<1x32x128xf32, #tpu.memory_space<vmem>>
    %dma_start3A_15 = tpu.memref_squeeze %dma_start3A_14 : memref<1x32x128xf32, #tpu.memory_space<vmem>> -> memref<32x128xf32, #tpu.memory_space<vmem>>
    %dma_start3A_16 = arith.constant 0 : i32
    %dma_start3A_17 = tpu.memref_slice %arg2[%add3A_5, %dma_start3A_16] : memref<16384x128xf32, #tpu.memory_space<hbm>> -> memref<32x128xf32, #tpu.memory_space<hbm>>
    tpu.enqueue_dma source(%dma_start3A_17 : memref<32x128xf32, #tpu.memory_space<hbm>>) target(%dma_start3A_15 : memref<32x128xf32, #tpu.memory_space<vmem>>) target_semaphore(%arg10 : memref<!tpu.dma_semaphore, #tpu.memory_space<semaphore_mem>>)
    %dma_start3A_18 = arith.constant 0 : i32
    %dma_start3A_19 = arith.constant 0 : i32
    %dma_start3A_20 = arith.constant 0 : i32
    %dma_start3A_21 = tpu.memref_slice %arg8[%dma_start3A_18, %dma_start3A_19, %dma_start3A_20] : memref<3x128x128xf32, #tpu.memory_space<vmem>> -> memref<1x32x128xf32, #tpu.memory_space<vmem>>
    %dma_start3A_22 = tpu.memref_squeeze %dma_start3A_21 : memref<1x32x128xf32, #tpu.memory_space<vmem>> -> memref<32x128xf32, #tpu.memory_space<vmem>>
    %dma_start3A_23 = arith.constant 0 : i32
    %dma_start3A_24 = tpu.memref_slice %arg6[%dma_start3A_23] : memref<512xi32, #tpu.memory_space<vmem>> -> memref<32xi32, #tpu.memory_space<vmem>>
    %dma_start3A_25 = arith.constant 0 : i32
    %dma_start3A_26 = arith.constant 0 : i32
    %dma_start3A_27 = tpu.memref_slice %arg4[%dma_start3A_25, %dma_start3A_26] : memref<100000x128xf32, #tpu.memory_space<hbm>> -> memref<100000x128xf32, #tpu.memory_space<hbm>>
    tpu.enqueue_indirect_dma source(%dma_start3A_27 : memref<100000x128xf32, #tpu.memory_space<hbm>>) target(%dma_start3A_22 : memref<32x128xf32, #tpu.memory_space<vmem>>) offsets(%dma_start3A_24 : memref<32xi32, #tpu.memory_space<vmem>>) semaphore(%arg10 : memref<!tpu.dma_semaphore, #tpu.memory_space<semaphore_mem>>)
    %add3A_28 = arith.constant 32 : i32
    %add3A_29 = arith.addi %mul3A_2, %add3A_28 : i32
    %dma_start3A_30 = arith.constant 1 : i32
    %dma_start3A_31 = arith.constant 0 : i32
    %dma_start3A_32 = arith.constant 0 : i32
    %dma_start3A_33 = tpu.memref_slice %arg7[%dma_start3A_30, %dma_start3A_31, %dma_start3A_32] : memref<3x128x128xf32, #tpu.memory_space<vmem>> -> memref<1x96x128xf32, #tpu.memory_space<vmem>>
    %dma_start3A_34 = tpu.memref_squeeze %dma_start3A_33 : memref<1x96x128xf32, #tpu.memory_space<vmem>> -> memref<96x128xf32, #tpu.memory_space<vmem>>
    %dma_start3A_35 = arith.constant 0 : i32
    %dma_start3A_36 = tpu.memref_slice %arg2[%add3A_29, %dma_start3A_35] : memref<16384x128xf32, #tpu.memory_space<hbm>> -> memref<96x128xf32, #tpu.memory_space<hbm>>
    %dma_start3A_37 = arith.constant 0 : i32
    %dma_start3A_38 = arith.constant 0 : i32
    %dma_start3A_39 = tpu.memref_slice %arg7[%dma_start3A_30, %dma_start3A_37, %dma_start3A_38] : memref<3x128x128xf32, #tpu.memory_space<vmem>> -> memref<1x96x128xf32, #tpu.memory_space<vmem>>
    %dma_start3A_40 = tpu.memref_squeeze %dma_start3A_39 : memref<1x96x128xf32, #tpu.memory_space<vmem>> -> memref<96x128xf32, #tpu.memory_space<vmem>>
    %dma_start3A_41 = arith.constant 0 : i32
    %dma_start3A_42 = tpu.memref_slice %arg2[%add3A_29, %dma_start3A_41] : memref<16384x128xf32, #tpu.memory_space<hbm>> -> memref<96x128xf32, #tpu.memory_space<hbm>>
    tpu.enqueue_dma source(%dma_start3A_42 : memref<96x128xf32, #tpu.memory_space<hbm>>) target(%dma_start3A_40 : memref<96x128xf32, #tpu.memory_space<vmem>>) target_semaphore(%arg11 : memref<!tpu.dma_semaphore, #tpu.memory_space<semaphore_mem>>)
    %dma_start3A_43 = arith.constant 1 : i32
    %dma_start3A_44 = arith.constant 0 : i32
    %dma_start3A_45 = arith.constant 0 : i32
    %dma_start3A_46 = tpu.memref_slice %arg8[%dma_start3A_43, %dma_start3A_44, %dma_start3A_45] : memref<3x128x128xf32, #tpu.memory_space<vmem>> -> memref<1x96x128xf32, #tpu.memory_space<vmem>>
    %dma_start3A_47 = tpu.memref_squeeze %dma_start3A_46 : memref<1x96x128xf32, #tpu.memory_space<vmem>> -> memref<96x128xf32, #tpu.memory_space<vmem>>
    %dma_start3A_48 = arith.constant 32 : i32
    %dma_start3A_49 = tpu.memref_slice %arg6[%dma_start3A_48] : memref<512xi32, #tpu.memory_space<vmem>> -> memref<96xi32, #tpu.memory_space<vmem>>
    %dma_start3A_50 = arith.constant 0 : i32
    %dma_start3A_51 = arith.constant 0 : i32
    %dma_start3A_52 = tpu.memref_slice %arg4[%dma_start3A_50, %dma_start3A_51] : memref<100000x128xf32, #tpu.memory_space<hbm>> -> memref<100000x128xf32, #tpu.memory_space<hbm>>
    tpu.enqueue_indirect_dma source(%dma_start3A_52 : memref<100000x128xf32, #tpu.memory_space<hbm>>) target(%dma_start3A_47 : memref<96x128xf32, #tpu.memory_space<vmem>>) offsets(%dma_start3A_49 : memref<96xi32, #tpu.memory_space<vmem>>) semaphore(%arg11 : memref<!tpu.dma_semaphore, #tpu.memory_space<semaphore_mem>>)
    %add3A_53 = arith.constant 128 : i32
    %add3A_54 = arith.addi %mul3A_2, %add3A_53 : i32
    %dma_start3A_55 = arith.constant 2 : i32
    %dma_start3A_56 = arith.constant 0 : i32
    %dma_start3A_57 = arith.constant 0 : i32
    %dma_start3A_58 = tpu.memref_slice %arg7[%dma_start3A_55, %dma_start3A_56, %dma_start3A_57] : memref<3x128x128xf32, #tpu.memory_space<vmem>> -> memref<1x128x128xf32, #tpu.memory_space<vmem>>
    %dma_start3A_59 = tpu.memref_squeeze %dma_start3A_58 : memref<1x128x128xf32, #tpu.memory_space<vmem>> -> memref<128x128xf32, #tpu.memory_space<vmem>>
    %dma_start3A_60 = arith.constant 0 : i32
    %dma_start3A_61 = tpu.memref_slice %arg2[%add3A_54, %dma_start3A_60] : memref<16384x128xf32, #tpu.memory_space<hbm>> -> memref<128x128xf32, #tpu.memory_space<hbm>>
    %dma_start3A_62 = arith.constant 0 : i32
    %dma_start3A_63 = arith.constant 0 : i32
    %dma_start3A_64 = tpu.memref_slice %arg7[%dma_start3A_55, %dma_start3A_62, %dma_start3A_63] : memref<3x128x128xf32, #tpu.memory_space<vmem>> -> memref<1x128x128xf32, #tpu.memory_space<vmem>>
    %dma_start3A_65 = tpu.memref_squeeze %dma_start3A_64 : memref<1x128x128xf32, #tpu.memory_space<vmem>> -> memref<128x128xf32, #tpu.memory_space<vmem>>
    %dma_start3A_66 = arith.constant 0 : i32
    %dma_start3A_67 = tpu.memref_slice %arg2[%add3A_54, %dma_start3A_66] : memref<16384x128xf32, #tpu.memory_space<hbm>> -> memref<128x128xf32, #tpu.memory_space<hbm>>
    tpu.enqueue_dma source(%dma_start3A_67 : memref<128x128xf32, #tpu.memory_space<hbm>>) target(%dma_start3A_65 : memref<128x128xf32, #tpu.memory_space<vmem>>) target_semaphore(%arg12 : memref<!tpu.dma_semaphore, #tpu.memory_space<semaphore_mem>>)
    %dma_start3A_68 = arith.constant 2 : i32
    %dma_start3A_69 = arith.constant 0 : i32
    %dma_start3A_70 = arith.constant 0 : i32
    %dma_start3A_71 = tpu.memref_slice %arg8[%dma_start3A_68, %dma_start3A_69, %dma_start3A_70] : memref<3x128x128xf32, #tpu.memory_space<vmem>> -> memref<1x128x128xf32, #tpu.memory_space<vmem>>
    %dma_start3A_72 = tpu.memref_squeeze %dma_start3A_71 : memref<1x128x128xf32, #tpu.memory_space<vmem>> -> memref<128x128xf32, #tpu.memory_space<vmem>>
    %dma_start3A_73 = arith.constant 128 : i32
    %dma_start3A_74 = tpu.memref_slice %arg6[%dma_start3A_73] : memref<512xi32, #tpu.memory_space<vmem>> -> memref<128xi32, #tpu.memory_space<vmem>>
    %dma_start3A_75 = arith.constant 0 : i32
    %dma_start3A_76 = arith.constant 0 : i32
    %dma_start3A_77 = tpu.memref_slice %arg4[%dma_start3A_75, %dma_start3A_76] : memref<100000x128xf32, #tpu.memory_space<hbm>> -> memref<100000x128xf32, #tpu.memory_space<hbm>>
    tpu.enqueue_indirect_dma source(%dma_start3A_77 : memref<100000x128xf32, #tpu.memory_space<hbm>>) target(%dma_start3A_72 : memref<128x128xf32, #tpu.memory_space<vmem>>) offsets(%dma_start3A_74 : memref<128xi32, #tpu.memory_space<vmem>>) semaphore(%arg12 : memref<!tpu.dma_semaphore, #tpu.memory_space<semaphore_mem>>)
    %dma_wait3A = arith.constant 0 : i32
    %dma_wait3A_78 = arith.constant 0 : i32
    %dma_wait3A_79 = arith.constant 0 : i32
    %dma_wait3A_80 = tpu.memref_slice %arg7[%dma_wait3A, %dma_wait3A_78, %dma_wait3A_79] : memref<3x128x128xf32, #tpu.memory_space<vmem>> -> memref<1x32x128xf32, #tpu.memory_space<vmem>>
    %dma_wait3A_81 = tpu.memref_squeeze %dma_wait3A_80 : memref<1x32x128xf32, #tpu.memory_space<vmem>> -> memref<32x128xf32, #tpu.memory_space<vmem>>
    %dma_wait3A_82 = arith.constant 0 : i32
    %dma_wait3A_83 = tpu.memref_slice %arg2[%add3A_5, %dma_wait3A_82] : memref<16384x128xf32, #tpu.memory_space<hbm>> -> memref<32x128xf32, #tpu.memory_space<hbm>>
    %dma_wait3A_84 = arith.constant 0 : i32
    %dma_wait3A_85 = arith.constant 0 : i32
    %dma_wait3A_86 = tpu.memref_slice %arg7[%dma_wait3A, %dma_wait3A_84, %dma_wait3A_85] : memref<3x128x128xf32, #tpu.memory_space<vmem>> -> memref<1x32x128xf32, #tpu.memory_space<vmem>>
    %dma_wait3A_87 = tpu.memref_squeeze %dma_wait3A_86 : memref<1x32x128xf32, #tpu.memory_space<vmem>> -> memref<32x128xf32, #tpu.memory_space<vmem>>
    %dma_wait3A_88 = arith.constant 0 : i32
    %dma_wait3A_89 = tpu.memref_slice %arg2[%add3A_5, %dma_wait3A_88] : memref<16384x128xf32, #tpu.memory_space<hbm>> -> memref<32x128xf32, #tpu.memory_space<hbm>>
    tpu.wait_dma2 semaphore(%arg10 : memref<!tpu.dma_semaphore, #tpu.memory_space<semaphore_mem>>) src(%dma_wait3A_89 : memref<32x128xf32, #tpu.memory_space<hbm>>) dst(%dma_wait3A_87 : memref<32x128xf32, #tpu.memory_space<vmem>>)
    %dma_wait3A_90 = arith.constant 0 : i32
    %dma_wait3A_91 = arith.constant 0 : i32
    %dma_wait3A_92 = arith.constant 0 : i32
    %dma_wait3A_93 = tpu.memref_slice %arg8[%dma_wait3A_90, %dma_wait3A_91, %dma_wait3A_92] : memref<3x128x128xf32, #tpu.memory_space<vmem>> -> memref<1x32x128xf32, #tpu.memory_space<vmem>>
    %dma_wait3A_94 = tpu.memref_squeeze %dma_wait3A_93 : memref<1x32x128xf32, #tpu.memory_space<vmem>> -> memref<32x128xf32, #tpu.memory_space<vmem>>
    %dma_wait3A_95 = arith.constant 0 : i32
    %dma_wait3A_96 = tpu.memref_slice %arg6[%dma_wait3A_95] : memref<512xi32, #tpu.memory_space<vmem>> -> memref<32xi32, #tpu.memory_space<vmem>>
    %dma_wait3A_97 = arith.constant 0 : i32
    %dma_wait3A_98 = arith.constant 0 : i32
    %dma_wait3A_99 = tpu.memref_slice %arg4[%dma_wait3A_97, %dma_wait3A_98] : memref<100000x128xf32, #tpu.memory_space<hbm>> -> memref<100000x128xf32, #tpu.memory_space<hbm>>
    tpu.wait_indirect_dma semaphore(%arg10 : memref<!tpu.dma_semaphore, #tpu.memory_space<semaphore_mem>>) src(%dma_wait3A_99 : memref<100000x128xf32, #tpu.memory_space<hbm>>) dst(%dma_wait3A_94 : memref<32x128xf32, #tpu.memory_space<vmem>>)
    %scan3A = arith.constant 0 : i32
    %scan3A_100 = arith.constant 32 : i32
    %scan3A_101 = arith.addi %scan3A, %scan3A_100 : i32
    %scan3A_102 = arith.constant 1 : i32
    %scan3A_103:8 = scf.for %scan3A_335 = %scan3A to %scan3A_101 step %scan3A_102 iter_args(%scan3A_336 = %broadcast_in_dim3A_3, %scan3A_337 = %broadcast_in_dim3A_3, %scan3A_338 = %broadcast_in_dim3A_3, %scan3A_339 = %broadcast_in_dim3A_3, %scan3A_340 = %broadcast_in_dim3A_3, %scan3A_341 = %broadcast_in_dim3A_3, %scan3A_342 = %broadcast_in_dim3A_3, %scan3A_343 = %broadcast_in_dim3A_3) -> (vector<16xf32>, vector<16xf32>, vector<16xf32>, vector<16xf32>, vector<16xf32>, vector<16xf32>, vector<16xf32>, vector<16xf32>)  : i32 {
      %get3A = arith.constant 0 : i32
      %get3A_344 = arith.index_cast %get3A : i32 to index
      %get3A_345 = arith.index_cast %scan3A_335 : i32 to index
      %get3A_346 = arith.constant 0 : index
      %get3A_347 = tpu.vector_load %arg7[%get3A_344, %get3A_345, %get3A_346] {strides = array<i32>} : memref<3x128x128xf32, #tpu.memory_space<vmem>>, vector<1x1x16xf32>,
      %get3A_348 = vector.shape_cast %get3A_347 : vector<1x1x16xf32> to vector<16xf32>
      %get3A_349 = arith.constant 0 : i32
      %get3A_350 = arith.index_cast %get3A_349 : i32 to index
      %get3A_351 = arith.index_cast %scan3A_335 : i32 to index
      %get3A_352 = arith.constant 0 : index
      %get3A_353 = tpu.vector_load %arg8[%get3A_350, %get3A_351, %get3A_352] {strides = array<i32>} : memref<3x128x128xf32, #tpu.memory_space<vmem>>, vector<1x1x16xf32>,
      %get3A_354 = vector.shape_cast %get3A_353 : vector<1x1x16xf32> to vector<16xf32>
      %sub3A = arith.subf %get3A_348, %get3A_354 : vector<16xf32>
      %mul3A_355 = arith.mulf %sub3A, %sub3A : vector<16xf32>
      %add3A_356 = arith.addf %scan3A_336, %mul3A_355 : vector<16xf32>
      %get3A_357 = arith.constant 0 : i32
      %get3A_358 = arith.index_cast %get3A_357 : i32 to index
      %get3A_359 = arith.index_cast %scan3A_335 : i32 to index
      %get3A_360 = arith.constant 16 : index
      %get3A_361 = tpu.vector_load %arg7[%get3A_358, %get3A_359, %get3A_360] {strides = array<i32>} : memref<3x128x128xf32, #tpu.memory_space<vmem>>, vector<1x1x16xf32>,
      %get3A_362 = vector.shape_cast %get3A_361 : vector<1x1x16xf32> to vector<16xf32>
      %get3A_363 = arith.constant 0 : i32
      %get3A_364 = arith.index_cast %get3A_363 : i32 to index
      %get3A_365 = arith.index_cast %scan3A_335 : i32 to index
      %get3A_366 = arith.constant 16 : index
      %get3A_367 = tpu.vector_load %arg8[%get3A_364, %get3A_365, %get3A_366] {strides = array<i32>} : memref<3x128x128xf32, #tpu.memory_space<vmem>>, vector<1x1x16xf32>,
      %get3A_368 = vector.shape_cast %get3A_367 : vector<1x1x16xf32> to vector<16xf32>
      %sub3A_369 = arith.subf %get3A_362, %get3A_368 : vector<16xf32>
      %mul3A_370 = arith.mulf %sub3A_369, %sub3A_369 : vector<16xf32>
      %add3A_371 = arith.addf %scan3A_337, %mul3A_370 : vector<16xf32>
      %get3A_372 = arith.constant 0 : i32
      %get3A_373 = arith.index_cast %get3A_372 : i32 to index
      %get3A_374 = arith.index_cast %scan3A_335 : i32 to index
      %get3A_375 = arith.constant 32 : index
      %get3A_376 = tpu.vector_load %arg7[%get3A_373, %get3A_374, %get3A_375] {strides = array<i32>} : memref<3x128x128xf32, #tpu.memory_space<vmem>>, vector<1x1x16xf32>,
      %get3A_377 = vector.shape_cast %get3A_376 : vector<1x1x16xf32> to vector<16xf32>
      %get3A_378 = arith.constant 0 : i32
      %get3A_379 = arith.index_cast %get3A_378 : i32 to index
      %get3A_380 = arith.index_cast %scan3A_335 : i32 to index
      %get3A_381 = arith.constant 32 : index
      %get3A_382 = tpu.vector_load %arg8[%get3A_379, %get3A_380, %get3A_381] {strides = array<i32>} : memref<3x128x128xf32, #tpu.memory_space<vmem>>, vector<1x1x16xf32>,
      %get3A_383 = vector.shape_cast %get3A_382 : vector<1x1x16xf32> to vector<16xf32>
      %sub3A_384 = arith.subf %get3A_377, %get3A_383 : vector<16xf32>
      %mul3A_385 = arith.mulf %sub3A_384, %sub3A_384 : vector<16xf32>
      %add3A_386 = arith.addf %scan3A_338, %mul3A_385 : vector<16xf32>
      %get3A_387 = arith.constant 0 : i32
      %get3A_388 = arith.index_cast %get3A_387 : i32 to index
      %get3A_389 = arith.index_cast %scan3A_335 : i32 to index
      %get3A_390 = arith.constant 48 : index
      %get3A_391 = tpu.vector_load %arg7[%get3A_388, %get3A_389, %get3A_390] {strides = array<i32>} : memref<3x128x128xf32, #tpu.memory_space<vmem>>, vector<1x1x16xf32>,
      %get3A_392 = vector.shape_cast %get3A_391 : vector<1x1x16xf32> to vector<16xf32>
      %get3A_393 = arith.constant 0 : i32
      %get3A_394 = arith.index_cast %get3A_393 : i32 to index
      %get3A_395 = arith.index_cast %scan3A_335 : i32 to index
      %get3A_396 = arith.constant 48 : index
      %get3A_397 = tpu.vector_load %arg8[%get3A_394, %get3A_395, %get3A_396] {strides = array<i32>} : memref<3x128x128xf32, #tpu.memory_space<vmem>>, vector<1x1x16xf32>,
      %get3A_398 = vector.shape_cast %get3A_397 : vector<1x1x16xf32> to vector<16xf32>
      %sub3A_399 = arith.subf %get3A_392, %get3A_398 : vector<16xf32>
      %mul3A_400 = arith.mulf %sub3A_399, %sub3A_399 : vector<16xf32>
      %add3A_401 = arith.addf %scan3A_339, %mul3A_400 : vector<16xf32>
      %get3A_402 = arith.constant 0 : i32
      %get3A_403 = arith.index_cast %get3A_402 : i32 to index
      %get3A_404 = arith.index_cast %scan3A_335 : i32 to index
      %get3A_405 = arith.constant 64 : index
      %get3A_406 = tpu.vector_load %arg7[%get3A_403, %get3A_404, %get3A_405] {strides = array<i32>} : memref<3x128x128xf32, #tpu.memory_space<vmem>>, vector<1x1x16xf32>,
      %get3A_407 = vector.shape_cast %get3A_406 : vector<1x1x16xf32> to vector<16xf32>
      %get3A_408 = arith.constant 0 : i32
      %get3A_409 = arith.index_cast %get3A_408 : i32 to index
      %get3A_410 = arith.index_cast %scan3A_335 : i32 to index
      %get3A_411 = arith.constant 64 : index
      %get3A_412 = tpu.vector_load %arg8[%get3A_409, %get3A_410, %get3A_411] {strides = array<i32>} : memref<3x128x128xf32, #tpu.memory_space<vmem>>, vector<1x1x16xf32>,
      %get3A_413 = vector.shape_cast %get3A_412 : vector<1x1x16xf32> to vector<16xf32>
      %sub3A_414 = arith.subf %get3A_407, %get3A_413 : vector<16xf32>
      %mul3A_415 = arith.mulf %sub3A_414, %sub3A_414 : vector<16xf32>
      %add3A_416 = arith.addf %scan3A_340, %mul3A_415 : vector<16xf32>
      %get3A_417 = arith.constant 0 : i32
      %get3A_418 = arith.index_cast %get3A_417 : i32 to index
      %get3A_419 = arith.index_cast %scan3A_335 : i32 to index
      %get3A_420 = arith.constant 80 : index
      %get3A_421 = tpu.vector_load %arg7[%get3A_418, %get3A_419, %get3A_420] {strides = array<i32>} : memref<3x128x128xf32, #tpu.memory_space<vmem>>, vector<1x1x16xf32>,
      %get3A_422 = vector.shape_cast %get3A_421 : vector<1x1x16xf32> to vector<16xf32>
      %get3A_423 = arith.constant 0 : i32
      %get3A_424 = arith.index_cast %get3A_423 : i32 to index
      %get3A_425 = arith.index_cast %scan3A_335 : i32 to index
      %get3A_426 = arith.constant 80 : index
      %get3A_427 = tpu.vector_load %arg8[%get3A_424, %get3A_425, %get3A_426] {strides = array<i32>} : memref<3x128x128xf32, #tpu.memory_space<vmem>>, vector<1x1x16xf32>,
      %get3A_428 = vector.shape_cast %get3A_427 : vector<1x1x16xf32> to vector<16xf32>
      %sub3A_429 = arith.subf %get3A_422, %get3A_428 : vector<16xf32>
      %mul3A_430 = arith.mulf %sub3A_429, %sub3A_429 : vector<16xf32>
      %add3A_431 = arith.addf %scan3A_341, %mul3A_430 : vector<16xf32>
      %get3A_432 = arith.constant 0 : i32
      %get3A_433 = arith.index_cast %get3A_432 : i32 to index
      %get3A_434 = arith.index_cast %scan3A_335 : i32 to index
      %get3A_435 = arith.constant 96 : index
      %get3A_436 = tpu.vector_load %arg7[%get3A_433, %get3A_434, %get3A_435] {strides = array<i32>} : memref<3x128x128xf32, #tpu.memory_space<vmem>>, vector<1x1x16xf32>,
      %get3A_437 = vector.shape_cast %get3A_436 : vector<1x1x16xf32> to vector<16xf32>
      %get3A_438 = arith.constant 0 : i32
      %get3A_439 = arith.index_cast %get3A_438 : i32 to index
      %get3A_440 = arith.index_cast %scan3A_335 : i32 to index
      %get3A_441 = arith.constant 96 : index
      %get3A_442 = tpu.vector_load %arg8[%get3A_439, %get3A_440, %get3A_441] {strides = array<i32>} : memref<3x128x128xf32, #tpu.memory_space<vmem>>, vector<1x1x16xf32>,
      %get3A_443 = vector.shape_cast %get3A_442 : vector<1x1x16xf32> to vector<16xf32>
      %sub3A_444 = arith.subf %get3A_437, %get3A_443 : vector<16xf32>
      %mul3A_445 = arith.mulf %sub3A_444, %sub3A_444 : vector<16xf32>
      %add3A_446 = arith.addf %scan3A_342, %mul3A_445 : vector<16xf32>
      %get3A_447 = arith.constant 0 : i32
      %get3A_448 = arith.index_cast %get3A_447 : i32 to index
      %get3A_449 = arith.index_cast %scan3A_335 : i32 to index
      %get3A_450 = arith.constant 112 : index
      %get3A_451 = tpu.vector_load %arg7[%get3A_448, %get3A_449, %get3A_450] {strides = array<i32>} : memref<3x128x128xf32, #tpu.memory_space<vmem>>, vector<1x1x16xf32>,
      %get3A_452 = vector.shape_cast %get3A_451 : vector<1x1x16xf32> to vector<16xf32>
      %get3A_453 = arith.constant 0 : i32
      %get3A_454 = arith.index_cast %get3A_453 : i32 to index
      %get3A_455 = arith.index_cast %scan3A_335 : i32 to index
      %get3A_456 = arith.constant 112 : index
      %get3A_457 = tpu.vector_load %arg8[%get3A_454, %get3A_455, %get3A_456] {strides = array<i32>} : memref<3x128x128xf32, #tpu.memory_space<vmem>>, vector<1x1x16xf32>,
      %get3A_458 = vector.shape_cast %get3A_457 : vector<1x1x16xf32> to vector<16xf32>
      %sub3A_459 = arith.subf %get3A_452, %get3A_458 : vector<16xf32>
      %mul3A_460 = arith.mulf %sub3A_459, %sub3A_459 : vector<16xf32>
      %add3A_461 = arith.addf %scan3A_343, %mul3A_460 : vector<16xf32>
      scf.yield %add3A_356, %add3A_371, %add3A_386, %add3A_401, %add3A_416, %add3A_431, %add3A_446, %add3A_461 : vector<16xf32>, vector<16xf32>, vector<16xf32>, vector<16xf32>, vector<16xf32>, vector<16xf32>, vector<16xf32>, vector<16xf32>
    }
    %scan3A_104 = arith.constant 32 : i32
    %add3A_105 = arith.constant 256 : i32
    %add3A_106 = arith.addi %mul3A_2, %add3A_105 : i32
    %dma_start3A_107 = arith.constant 0 : i32
    %dma_start3A_108 = arith.constant 0 : i32
    %dma_start3A_109 = arith.constant 0 : i32
    %dma_start3A_110 = tpu.memref_slice %arg7[%dma_start3A_107, %dma_start3A_108, %dma_start3A_109] : memref<3x128x128xf32, #tpu.memory_space<vmem>> -> memref<1x128x128xf32, #tpu.memory_space<vmem>>
    %dma_start3A_111 = tpu.memref_squeeze %dma_start3A_110 : memref<1x128x128xf32, #tpu.memory_space<vmem>> -> memref<128x128xf32, #tpu.memory_space<vmem>>
    %dma_start3A_112 = arith.constant 0 : i32
    %dma_start3A_113 = tpu.memref_slice %arg2[%add3A_106, %dma_start3A_112] : memref<16384x128xf32, #tpu.memory_space<hbm>> -> memref<128x128xf32, #tpu.memory_space<hbm>>
    %dma_start3A_114 = arith.constant 0 : i32
    %dma_start3A_115 = arith.constant 0 : i32
    %dma_start3A_116 = tpu.memref_slice %arg7[%dma_start3A_107, %dma_start3A_114, %dma_start3A_115] : memref<3x128x128xf32, #tpu.memory_space<vmem>> -> memref<1x128x128xf32, #tpu.memory_space<vmem>>
    %dma_start3A_117 = tpu.memref_squeeze %dma_start3A_116 : memref<1x128x128xf32, #tpu.memory_space<vmem>> -> memref<128x128xf32, #tpu.memory_space<vmem>>
    %dma_start3A_118 = arith.constant 0 : i32
    %dma_start3A_119 = tpu.memref_slice %arg2[%add3A_106, %dma_start3A_118] : memref<16384x128xf32, #tpu.memory_space<hbm>> -> memref<128x128xf32, #tpu.memory_space<hbm>>
    tpu.enqueue_dma source(%dma_start3A_119 : memref<128x128xf32, #tpu.memory_space<hbm>>) target(%dma_start3A_117 : memref<128x128xf32, #tpu.memory_space<vmem>>) target_semaphore(%arg10 : memref<!tpu.dma_semaphore, #tpu.memory_space<semaphore_mem>>)
    %dma_start3A_120 = arith.constant 0 : i32
    %dma_start3A_121 = arith.constant 0 : i32
    %dma_start3A_122 = arith.constant 0 : i32
    %dma_start3A_123 = tpu.memref_slice %arg8[%dma_start3A_120, %dma_start3A_121, %dma_start3A_122] : memref<3x128x128xf32, #tpu.memory_space<vmem>> -> memref<1x128x128xf32, #tpu.memory_space<vmem>>
    %dma_start3A_124 = tpu.memref_squeeze %dma_start3A_123 : memref<1x128x128xf32, #tpu.memory_space<vmem>> -> memref<128x128xf32, #tpu.memory_space<vmem>>
    %dma_start3A_125 = arith.constant 256 : i32
    %dma_start3A_126 = tpu.memref_slice %arg6[%dma_start3A_125] : memref<512xi32, #tpu.memory_space<vmem>> -> memref<128xi32, #tpu.memory_space<vmem>>
    %dma_start3A_127 = arith.constant 0 : i32
    %dma_start3A_128 = arith.constant 0 : i32
    %dma_start3A_129 = tpu.memref_slice %arg4[%dma_start3A_127, %dma_start3A_128] : memref<100000x128xf32, #tpu.memory_space<hbm>> -> memref<100000x128xf32, #tpu.memory_space<hbm>>
    tpu.enqueue_indirect_dma source(%dma_start3A_129 : memref<100000x128xf32, #tpu.memory_space<hbm>>) target(%dma_start3A_124 : memref<128x128xf32, #tpu.memory_space<vmem>>) offsets(%dma_start3A_126 : memref<128xi32, #tpu.memory_space<vmem>>) semaphore(%arg10 : memref<!tpu.dma_semaphore, #tpu.memory_space<semaphore_mem>>)
    %dma_wait3A_130 = arith.constant 1 : i32
    %dma_wait3A_131 = arith.constant 0 : i32
    %dma_wait3A_132 = arith.constant 0 : i32
    %dma_wait3A_133 = tpu.memref_slice %arg7[%dma_wait3A_130, %dma_wait3A_131, %dma_wait3A_132] : memref<3x128x128xf32, #tpu.memory_space<vmem>> -> memref<1x96x128xf32, #tpu.memory_space<vmem>>
    %dma_wait3A_134 = tpu.memref_squeeze %dma_wait3A_133 : memref<1x96x128xf32, #tpu.memory_space<vmem>> -> memref<96x128xf32, #tpu.memory_space<vmem>>
    %dma_wait3A_135 = arith.constant 0 : i32
    %dma_wait3A_136 = tpu.memref_slice %arg2[%add3A_29, %dma_wait3A_135] : memref<16384x128xf32, #tpu.memory_space<hbm>> -> memref<96x128xf32, #tpu.memory_space<hbm>>
    %dma_wait3A_137 = arith.constant 0 : i32
    %dma_wait3A_138 = arith.constant 0 : i32
    %dma_wait3A_139 = tpu.memref_slice %arg7[%dma_wait3A_130, %dma_wait3A_137, %dma_wait3A_138] : memref<3x128x128xf32, #tpu.memory_space<vmem>> -> memref<1x96x128xf32, #tpu.memory_space<vmem>>
    %dma_wait3A_140 = tpu.memref_squeeze %dma_wait3A_139 : memref<1x96x128xf32, #tpu.memory_space<vmem>> -> memref<96x128xf32, #tpu.memory_space<vmem>>
    %dma_wait3A_141 = arith.constant 0 : i32
    %dma_wait3A_142 = tpu.memref_slice %arg2[%add3A_29, %dma_wait3A_141] : memref<16384x128xf32, #tpu.memory_space<hbm>> -> memref<96x128xf32, #tpu.memory_space<hbm>>
    tpu.wait_dma2 semaphore(%arg11 : memref<!tpu.dma_semaphore, #tpu.memory_space<semaphore_mem>>) src(%dma_wait3A_142 : memref<96x128xf32, #tpu.memory_space<hbm>>) dst(%dma_wait3A_140 : memref<96x128xf32, #tpu.memory_space<vmem>>)
    %dma_wait3A_143 = arith.constant 1 : i32
    %dma_wait3A_144 = arith.constant 0 : i32
    %dma_wait3A_145 = arith.constant 0 : i32
    %dma_wait3A_146 = tpu.memref_slice %arg8[%dma_wait3A_143, %dma_wait3A_144, %dma_wait3A_145] : memref<3x128x128xf32, #tpu.memory_space<vmem>> -> memref<1x96x128xf32, #tpu.memory_space<vmem>>
    %dma_wait3A_147 = tpu.memref_squeeze %dma_wait3A_146 : memref<1x96x128xf32, #tpu.memory_space<vmem>> -> memref<96x128xf32, #tpu.memory_space<vmem>>
    %dma_wait3A_148 = arith.constant 32 : i32
    %dma_wait3A_149 = tpu.memref_slice %arg6[%dma_wait3A_148] : memref<512xi32, #tpu.memory_space<vmem>> -> memref<96xi32, #tpu.memory_space<vmem>>
    %dma_wait3A_150 = arith.constant 0 : i32
    %dma_wait3A_151 = arith.constant 0 : i32
    %dma_wait3A_152 = tpu.memref_slice %arg4[%dma_wait3A_150, %dma_wait3A_151] : memref<100000x128xf32, #tpu.memory_space<hbm>> -> memref<100000x128xf32, #tpu.memory_space<hbm>>
    tpu.wait_indirect_dma semaphore(%arg11 : memref<!tpu.dma_semaphore, #tpu.memory_space<semaphore_mem>>) src(%dma_wait3A_152 : memref<100000x128xf32, #tpu.memory_space<hbm>>) dst(%dma_wait3A_147 : memref<96x128xf32, #tpu.memory_space<vmem>>)
    %scan3A_153 = arith.constant 0 : i32
    %scan3A_154 = arith.constant 96 : i32
    %scan3A_155 = arith.addi %scan3A_153, %scan3A_154 : i32
    %scan3A_156 = arith.constant 1 : i32
    %scan3A_157:8 = scf.for %scan3A_335 = %scan3A_153 to %scan3A_155 step %scan3A_156 iter_args(%scan3A_336 = %scan3A_103#0, %scan3A_337 = %scan3A_103#1, %scan3A_338 = %scan3A_103#2, %scan3A_339 = %scan3A_103#3, %scan3A_340 = %scan3A_103#4, %scan3A_341 = %scan3A_103#5, %scan3A_342 = %scan3A_103#6, %scan3A_343 = %scan3A_103#7) -> (vector<16xf32>, vector<16xf32>, vector<16xf32>, vector<16xf32>, vector<16xf32>, vector<16xf32>, vector<16xf32>, vector<16xf32>)  : i32 {
      %get3A = arith.constant 1 : i32
      %get3A_344 = arith.index_cast %get3A : i32 to index
      %get3A_345 = arith.index_cast %scan3A_335 : i32 to index
      %get3A_346 = arith.constant 0 : index
      %get3A_347 = tpu.vector_load %arg7[%get3A_344, %get3A_345, %get3A_346] {strides = array<i32>} : memref<3x128x128xf32, #tpu.memory_space<vmem>>, vector<1x1x16xf32>,
      %get3A_348 = vector.shape_cast %get3A_347 : vector<1x1x16xf32> to vector<16xf32>
      %get3A_349 = arith.constant 1 : i32
      %get3A_350 = arith.index_cast %get3A_349 : i32 to index
      %get3A_351 = arith.index_cast %scan3A_335 : i32 to index
      %get3A_352 = arith.constant 0 : index
      %get3A_353 = tpu.vector_load %arg8[%get3A_350, %get3A_351, %get3A_352] {strides = array<i32>} : memref<3x128x128xf32, #tpu.memory_space<vmem>>, vector<1x1x16xf32>,
      %get3A_354 = vector.shape_cast %get3A_353 : vector<1x1x16xf32> to vector<16xf32>
      %sub3A = arith.subf %get3A_348, %get3A_354 : vector<16xf32>
      %mul3A_355 = arith.mulf %sub3A, %sub3A : vector<16xf32>
      %add3A_356 = arith.addf %scan3A_336, %mul3A_355 : vector<16xf32>
      %get3A_357 = arith.constant 1 : i32
      %get3A_358 = arith.index_cast %get3A_357 : i32 to index
      %get3A_359 = arith.index_cast %scan3A_335 : i32 to index
      %get3A_360 = arith.constant 16 : index
      %get3A_361 = tpu.vector_load %arg7[%get3A_358, %get3A_359, %get3A_360] {strides = array<i32>} : memref<3x128x128xf32, #tpu.memory_space<vmem>>, vector<1x1x16xf32>,
      %get3A_362 = vector.shape_cast %get3A_361 : vector<1x1x16xf32> to vector<16xf32>
      %get3A_363 = arith.constant 1 : i32
      %get3A_364 = arith.index_cast %get3A_363 : i32 to index
      %get3A_365 = arith.index_cast %scan3A_335 : i32 to index
      %get3A_366 = arith.constant 16 : index
      %get3A_367 = tpu.vector_load %arg8[%get3A_364, %get3A_365, %get3A_366] {strides = array<i32>} : memref<3x128x128xf32, #tpu.memory_space<vmem>>, vector<1x1x16xf32>,
      %get3A_368 = vector.shape_cast %get3A_367 : vector<1x1x16xf32> to vector<16xf32>
      %sub3A_369 = arith.subf %get3A_362, %get3A_368 : vector<16xf32>
      %mul3A_370 = arith.mulf %sub3A_369, %sub3A_369 : vector<16xf32>
      %add3A_371 = arith.addf %scan3A_337, %mul3A_370 : vector<16xf32>
      %get3A_372 = arith.constant 1 : i32
      %get3A_373 = arith.index_cast %get3A_372 : i32 to index
      %get3A_374 = arith.index_cast %scan3A_335 : i32 to index
      %get3A_375 = arith.constant 32 : index
      %get3A_376 = tpu.vector_load %arg7[%get3A_373, %get3A_374, %get3A_375] {strides = array<i32>} : memref<3x128x128xf32, #tpu.memory_space<vmem>>, vector<1x1x16xf32>,
      %get3A_377 = vector.shape_cast %get3A_376 : vector<1x1x16xf32> to vector<16xf32>
      %get3A_378 = arith.constant 1 : i32
      %get3A_379 = arith.index_cast %get3A_378 : i32 to index
      %get3A_380 = arith.index_cast %scan3A_335 : i32 to index
      %get3A_381 = arith.constant 32 : index
      %get3A_382 = tpu.vector_load %arg8[%get3A_379, %get3A_380, %get3A_381] {strides = array<i32>} : memref<3x128x128xf32, #tpu.memory_space<vmem>>, vector<1x1x16xf32>,
      %get3A_383 = vector.shape_cast %get3A_382 : vector<1x1x16xf32> to vector<16xf32>
      %sub3A_384 = arith.subf %get3A_377, %get3A_383 : vector<16xf32>
      %mul3A_385 = arith.mulf %sub3A_384, %sub3A_384 : vector<16xf32>
      %add3A_386 = arith.addf %scan3A_338, %mul3A_385 : vector<16xf32>
      %get3A_387 = arith.constant 1 : i32
      %get3A_388 = arith.index_cast %get3A_387 : i32 to index
      %get3A_389 = arith.index_cast %scan3A_335 : i32 to index
      %get3A_390 = arith.constant 48 : index
      %get3A_391 = tpu.vector_load %arg7[%get3A_388, %get3A_389, %get3A_390] {strides = array<i32>} : memref<3x128x128xf32, #tpu.memory_space<vmem>>, vector<1x1x16xf32>,
      %get3A_392 = vector.shape_cast %get3A_391 : vector<1x1x16xf32> to vector<16xf32>
      %get3A_393 = arith.constant 1 : i32
      %get3A_394 = arith.index_cast %get3A_393 : i32 to index
      %get3A_395 = arith.index_cast %scan3A_335 : i32 to index
      %get3A_396 = arith.constant 48 : index
      %get3A_397 = tpu.vector_load %arg8[%get3A_394, %get3A_395, %get3A_396] {strides = array<i32>} : memref<3x128x128xf32, #tpu.memory_space<vmem>>, vector<1x1x16xf32>,
      %get3A_398 = vector.shape_cast %get3A_397 : vector<1x1x16xf32> to vector<16xf32>
      %sub3A_399 = arith.subf %get3A_392, %get3A_398 : vector<16xf32>
      %mul3A_400 = arith.mulf %sub3A_399, %sub3A_399 : vector<16xf32>
      %add3A_401 = arith.addf %scan3A_339, %mul3A_400 : vector<16xf32>
      %get3A_402 = arith.constant 1 : i32
      %get3A_403 = arith.index_cast %get3A_402 : i32 to index
      %get3A_404 = arith.index_cast %scan3A_335 : i32 to index
      %get3A_405 = arith.constant 64 : index
      %get3A_406 = tpu.vector_load %arg7[%get3A_403, %get3A_404, %get3A_405] {strides = array<i32>} : memref<3x128x128xf32, #tpu.memory_space<vmem>>, vector<1x1x16xf32>,
      %get3A_407 = vector.shape_cast %get3A_406 : vector<1x1x16xf32> to vector<16xf32>
      %get3A_408 = arith.constant 1 : i32
      %get3A_409 = arith.index_cast %get3A_408 : i32 to index
      %get3A_410 = arith.index_cast %scan3A_335 : i32 to index
      %get3A_411 = arith.constant 64 : index
      %get3A_412 = tpu.vector_load %arg8[%get3A_409, %get3A_410, %get3A_411] {strides = array<i32>} : memref<3x128x128xf32, #tpu.memory_space<vmem>>, vector<1x1x16xf32>,
      %get3A_413 = vector.shape_cast %get3A_412 : vector<1x1x16xf32> to vector<16xf32>
      %sub3A_414 = arith.subf %get3A_407, %get3A_413 : vector<16xf32>
      %mul3A_415 = arith.mulf %sub3A_414, %sub3A_414 : vector<16xf32>
      %add3A_416 = arith.addf %scan3A_340, %mul3A_415 : vector<16xf32>
      %get3A_417 = arith.constant 1 : i32
      %get3A_418 = arith.index_cast %get3A_417 : i32 to index
      %get3A_419 = arith.index_cast %scan3A_335 : i32 to index
      %get3A_420 = arith.constant 80 : index
      %get3A_421 = tpu.vector_load %arg7[%get3A_418, %get3A_419, %get3A_420] {strides = array<i32>} : memref<3x128x128xf32, #tpu.memory_space<vmem>>, vector<1x1x16xf32>,
      %get3A_422 = vector.shape_cast %get3A_421 : vector<1x1x16xf32> to vector<16xf32>
      %get3A_423 = arith.constant 1 : i32
      %get3A_424 = arith.index_cast %get3A_423 : i32 to index
      %get3A_425 = arith.index_cast %scan3A_335 : i32 to index
      %get3A_426 = arith.constant 80 : index
      %get3A_427 = tpu.vector_load %arg8[%get3A_424, %get3A_425, %get3A_426] {strides = array<i32>} : memref<3x128x128xf32, #tpu.memory_space<vmem>>, vector<1x1x16xf32>,
      %get3A_428 = vector.shape_cast %get3A_427 : vector<1x1x16xf32> to vector<16xf32>
      %sub3A_429 = arith.subf %get3A_422, %get3A_428 : vector<16xf32>
      %mul3A_430 = arith.mulf %sub3A_429, %sub3A_429 : vector<16xf32>
      %add3A_431 = arith.addf %scan3A_341, %mul3A_430 : vector<16xf32>
      %get3A_432 = arith.constant 1 : i32
      %get3A_433 = arith.index_cast %get3A_432 : i32 to index
      %get3A_434 = arith.index_cast %scan3A_335 : i32 to index
      %get3A_435 = arith.constant 96 : index
      %get3A_436 = tpu.vector_load %arg7[%get3A_433, %get3A_434, %get3A_435] {strides = array<i32>} : memref<3x128x128xf32, #tpu.memory_space<vmem>>, vector<1x1x16xf32>,
      %get3A_437 = vector.shape_cast %get3A_436 : vector<1x1x16xf32> to vector<16xf32>
      %get3A_438 = arith.constant 1 : i32
      %get3A_439 = arith.index_cast %get3A_438 : i32 to index
      %get3A_440 = arith.index_cast %scan3A_335 : i32 to index
      %get3A_441 = arith.constant 96 : index
      %get3A_442 = tpu.vector_load %arg8[%get3A_439, %get3A_440, %get3A_441] {strides = array<i32>} : memref<3x128x128xf32, #tpu.memory_space<vmem>>, vector<1x1x16xf32>,
      %get3A_443 = vector.shape_cast %get3A_442 : vector<1x1x16xf32> to vector<16xf32>
      %sub3A_444 = arith.subf %get3A_437, %get3A_443 : vector<16xf32>
      %mul3A_445 = arith.mulf %sub3A_444, %sub3A_444 : vector<16xf32>
      %add3A_446 = arith.addf %scan3A_342, %mul3A_445 : vector<16xf32>
      %get3A_447 = arith.constant 1 : i32
      %get3A_448 = arith.index_cast %get3A_447 : i32 to index
      %get3A_449 = arith.index_cast %scan3A_335 : i32 to index
      %get3A_450 = arith.constant 112 : index
      %get3A_451 = tpu.vector_load %arg7[%get3A_448, %get3A_449, %get3A_450] {strides = array<i32>} : memref<3x128x128xf32, #tpu.memory_space<vmem>>, vector<1x1x16xf32>,
      %get3A_452 = vector.shape_cast %get3A_451 : vector<1x1x16xf32> to vector<16xf32>
      %get3A_453 = arith.constant 1 : i32
      %get3A_454 = arith.index_cast %get3A_453 : i32 to index
      %get3A_455 = arith.index_cast %scan3A_335 : i32 to index
      %get3A_456 = arith.constant 112 : index
      %get3A_457 = tpu.vector_load %arg8[%get3A_454, %get3A_455, %get3A_456] {strides = array<i32>} : memref<3x128x128xf32, #tpu.memory_space<vmem>>, vector<1x1x16xf32>,
      %get3A_458 = vector.shape_cast %get3A_457 : vector<1x1x16xf32> to vector<16xf32>
      %sub3A_459 = arith.subf %get3A_452, %get3A_458 : vector<16xf32>
      %mul3A_460 = arith.mulf %sub3A_459, %sub3A_459 : vector<16xf32>
      %add3A_461 = arith.addf %scan3A_343, %mul3A_460 : vector<16xf32>
      scf.yield %add3A_356, %add3A_371, %add3A_386, %add3A_401, %add3A_416, %add3A_431, %add3A_446, %add3A_461 : vector<16xf32>, vector<16xf32>, vector<16xf32>, vector<16xf32>, vector<16xf32>, vector<16xf32>, vector<16xf32>, vector<16xf32>
    }
    %scan3A_158 = arith.constant 96 : i32
    %add3A_159 = arith.constant 384 : i32
    %add3A_160 = arith.addi %mul3A_2, %add3A_159 : i32
    %dma_start3A_161 = arith.constant 1 : i32
    %dma_start3A_162 = arith.constant 0 : i32
    %dma_start3A_163 = arith.constant 0 : i32
    %dma_start3A_164 = tpu.memref_slice %arg7[%dma_start3A_161, %dma_start3A_162, %dma_start3A_163] : memref<3x128x128xf32, #tpu.memory_space<vmem>> -> memref<1x96x128xf32, #tpu.memory_space<vmem>>
    %dma_start3A_165 = tpu.memref_squeeze %dma_start3A_164 : memref<1x96x128xf32, #tpu.memory_space<vmem>> -> memref<96x128xf32, #tpu.memory_space<vmem>>
    %dma_start3A_166 = arith.constant 0 : i32
    %dma_start3A_167 = tpu.memref_slice %arg2[%add3A_160, %dma_start3A_166] : memref<16384x128xf32, #tpu.memory_space<hbm>> -> memref<96x128xf32, #tpu.memory_space<hbm>>
    %dma_start3A_168 = arith.constant 0 : i32
    %dma_start3A_169 = arith.constant 0 : i32
    %dma_start3A_170 = tpu.memref_slice %arg7[%dma_start3A_161, %dma_start3A_168, %dma_start3A_169] : memref<3x128x128xf32, #tpu.memory_space<vmem>> -> memref<1x96x128xf32, #tpu.memory_space<vmem>>
    %dma_start3A_171 = tpu.memref_squeeze %dma_start3A_170 : memref<1x96x128xf32, #tpu.memory_space<vmem>> -> memref<96x128xf32, #tpu.memory_space<vmem>>
    %dma_start3A_172 = arith.constant 0 : i32
    %dma_start3A_173 = tpu.memref_slice %arg2[%add3A_160, %dma_start3A_172] : memref<16384x128xf32, #tpu.memory_space<hbm>> -> memref<96x128xf32, #tpu.memory_space<hbm>>
    tpu.enqueue_dma source(%dma_start3A_173 : memref<96x128xf32, #tpu.memory_space<hbm>>) target(%dma_start3A_171 : memref<96x128xf32, #tpu.memory_space<vmem>>) target_semaphore(%arg11 : memref<!tpu.dma_semaphore, #tpu.memory_space<semaphore_mem>>)
    %dma_start3A_174 = arith.constant 1 : i32
    %dma_start3A_175 = arith.constant 0 : i32
    %dma_start3A_176 = arith.constant 0 : i32
    %dma_start3A_177 = tpu.memref_slice %arg8[%dma_start3A_174, %dma_start3A_175, %dma_start3A_176] : memref<3x128x128xf32, #tpu.memory_space<vmem>> -> memref<1x96x128xf32, #tpu.memory_space<vmem>>
    %dma_start3A_178 = tpu.memref_squeeze %dma_start3A_177 : memref<1x96x128xf32, #tpu.memory_space<vmem>> -> memref<96x128xf32, #tpu.memory_space<vmem>>
    %dma_start3A_179 = arith.constant 384 : i32
    %dma_start3A_180 = tpu.memref_slice %arg6[%dma_start3A_179] : memref<512xi32, #tpu.memory_space<vmem>> -> memref<96xi32, #tpu.memory_space<vmem>>
    %dma_start3A_181 = arith.constant 0 : i32
    %dma_start3A_182 = arith.constant 0 : i32
    %dma_start3A_183 = tpu.memref_slice %arg4[%dma_start3A_181, %dma_start3A_182] : memref<100000x128xf32, #tpu.memory_space<hbm>> -> memref<100000x128xf32, #tpu.memory_space<hbm>>
    tpu.enqueue_indirect_dma source(%dma_start3A_183 : memref<100000x128xf32, #tpu.memory_space<hbm>>) target(%dma_start3A_178 : memref<96x128xf32, #tpu.memory_space<vmem>>) offsets(%dma_start3A_180 : memref<96xi32, #tpu.memory_space<vmem>>) semaphore(%arg11 : memref<!tpu.dma_semaphore, #tpu.memory_space<semaphore_mem>>)
    %dma_wait3A_184 = arith.constant 2 : i32
    %dma_wait3A_185 = arith.constant 0 : i32
    %dma_wait3A_186 = arith.constant 0 : i32
    %dma_wait3A_187 = tpu.memref_slice %arg7[%dma_wait3A_184, %dma_wait3A_185, %dma_wait3A_186] : memref<3x128x128xf32, #tpu.memory_space<vmem>> -> memref<1x128x128xf32, #tpu.memory_space<vmem>>
    %dma_wait3A_188 = tpu.memref_squeeze %dma_wait3A_187 : memref<1x128x128xf32, #tpu.memory_space<vmem>> -> memref<128x128xf32, #tpu.memory_space<vmem>>
    %dma_wait3A_189 = arith.constant 0 : i32
    %dma_wait3A_190 = tpu.memref_slice %arg2[%add3A_54, %dma_wait3A_189] : memref<16384x128xf32, #tpu.memory_space<hbm>> -> memref<128x128xf32, #tpu.memory_space<hbm>>
    %dma_wait3A_191 = arith.constant 0 : i32
    %dma_wait3A_192 = arith.constant 0 : i32
    %dma_wait3A_193 = tpu.memref_slice %arg7[%dma_wait3A_184, %dma_wait3A_191, %dma_wait3A_192] : memref<3x128x128xf32, #tpu.memory_space<vmem>> -> memref<1x128x128xf32, #tpu.memory_space<vmem>>
    %dma_wait3A_194 = tpu.memref_squeeze %dma_wait3A_193 : memref<1x128x128xf32, #tpu.memory_space<vmem>> -> memref<128x128xf32, #tpu.memory_space<vmem>>
    %dma_wait3A_195 = arith.constant 0 : i32
    %dma_wait3A_196 = tpu.memref_slice %arg2[%add3A_54, %dma_wait3A_195] : memref<16384x128xf32, #tpu.memory_space<hbm>> -> memref<128x128xf32, #tpu.memory_space<hbm>>
    tpu.wait_dma2 semaphore(%arg12 : memref<!tpu.dma_semaphore, #tpu.memory_space<semaphore_mem>>) src(%dma_wait3A_196 : memref<128x128xf32, #tpu.memory_space<hbm>>) dst(%dma_wait3A_194 : memref<128x128xf32, #tpu.memory_space<vmem>>)
    %dma_wait3A_197 = arith.constant 2 : i32
    %dma_wait3A_198 = arith.constant 0 : i32
    %dma_wait3A_199 = arith.constant 0 : i32
    %dma_wait3A_200 = tpu.memref_slice %arg8[%dma_wait3A_197, %dma_wait3A_198, %dma_wait3A_199] : memref<3x128x128xf32, #tpu.memory_space<vmem>> -> memref<1x128x128xf32, #tpu.memory_space<vmem>>
    %dma_wait3A_201 = tpu.memref_squeeze %dma_wait3A_200 : memref<1x128x128xf32, #tpu.memory_space<vmem>> -> memref<128x128xf32, #tpu.memory_space<vmem>>
    %dma_wait3A_202 = arith.constant 128 : i32
    %dma_wait3A_203 = tpu.memref_slice %arg6[%dma_wait3A_202] : memref<512xi32, #tpu.memory_space<vmem>> -> memref<128xi32, #tpu.memory_space<vmem>>
    %dma_wait3A_204 = arith.constant 0 : i32
    %dma_wait3A_205 = arith.constant 0 : i32
    %dma_wait3A_206 = tpu.memref_slice %arg4[%dma_wait3A_204, %dma_wait3A_205] : memref<100000x128xf32, #tpu.memory_space<hbm>> -> memref<100000x128xf32, #tpu.memory_space<hbm>>
    tpu.wait_indirect_dma semaphore(%arg12 : memref<!tpu.dma_semaphore, #tpu.memory_space<semaphore_mem>>) src(%dma_wait3A_206 : memref<100000x128xf32, #tpu.memory_space<hbm>>) dst(%dma_wait3A_201 : memref<128x128xf32, #tpu.memory_space<vmem>>)
    %scan3A_207 = arith.constant 0 : i32
    %scan3A_208 = arith.constant 128 : i32
    %scan3A_209 = arith.addi %scan3A_207, %scan3A_208 : i32
    %scan3A_210 = arith.constant 1 : i32
    %scan3A_211:8 = scf.for %scan3A_335 = %scan3A_207 to %scan3A_209 step %scan3A_210 iter_args(%scan3A_336 = %scan3A_157#0, %scan3A_337 = %scan3A_157#1, %scan3A_338 = %scan3A_157#2, %scan3A_339 = %scan3A_157#3, %scan3A_340 = %scan3A_157#4, %scan3A_341 = %scan3A_157#5, %scan3A_342 = %scan3A_157#6, %scan3A_343 = %scan3A_157#7) -> (vector<16xf32>, vector<16xf32>, vector<16xf32>, vector<16xf32>, vector<16xf32>, vector<16xf32>, vector<16xf32>, vector<16xf32>)  : i32 {
      %get3A = arith.constant 2 : i32
      %get3A_344 = arith.index_cast %get3A : i32 to index
      %get3A_345 = arith.index_cast %scan3A_335 : i32 to index
      %get3A_346 = arith.constant 0 : index
      %get3A_347 = tpu.vector_load %arg7[%get3A_344, %get3A_345, %get3A_346] {strides = array<i32>} : memref<3x128x128xf32, #tpu.memory_space<vmem>>, vector<1x1x16xf32>,
      %get3A_348 = vector.shape_cast %get3A_347 : vector<1x1x16xf32> to vector<16xf32>
      %get3A_349 = arith.constant 2 : i32
      %get3A_350 = arith.index_cast %get3A_349 : i32 to index
      %get3A_351 = arith.index_cast %scan3A_335 : i32 to index
      %get3A_352 = arith.constant 0 : index
      %get3A_353 = tpu.vector_load %arg8[%get3A_350, %get3A_351, %get3A_352] {strides = array<i32>} : memref<3x128x128xf32, #tpu.memory_space<vmem>>, vector<1x1x16xf32>,
      %get3A_354 = vector.shape_cast %get3A_353 : vector<1x1x16xf32> to vector<16xf32>
      %sub3A = arith.subf %get3A_348, %get3A_354 : vector<16xf32>
      %mul3A_355 = arith.mulf %sub3A, %sub3A : vector<16xf32>
      %add3A_356 = arith.addf %scan3A_336, %mul3A_355 : vector<16xf32>
      %get3A_357 = arith.constant 2 : i32
      %get3A_358 = arith.index_cast %get3A_357 : i32 to index
      %get3A_359 = arith.index_cast %scan3A_335 : i32 to index
      %get3A_360 = arith.constant 16 : index
      %get3A_361 = tpu.vector_load %arg7[%get3A_358, %get3A_359, %get3A_360] {strides = array<i32>} : memref<3x128x128xf32, #tpu.memory_space<vmem>>, vector<1x1x16xf32>,
      %get3A_362 = vector.shape_cast %get3A_361 : vector<1x1x16xf32> to vector<16xf32>
      %get3A_363 = arith.constant 2 : i32
      %get3A_364 = arith.index_cast %get3A_363 : i32 to index
      %get3A_365 = arith.index_cast %scan3A_335 : i32 to index
      %get3A_366 = arith.constant 16 : index
      %get3A_367 = tpu.vector_load %arg8[%get3A_364, %get3A_365, %get3A_366] {strides = array<i32>} : memref<3x128x128xf32, #tpu.memory_space<vmem>>, vector<1x1x16xf32>,
      %get3A_368 = vector.shape_cast %get3A_367 : vector<1x1x16xf32> to vector<16xf32>
      %sub3A_369 = arith.subf %get3A_362, %get3A_368 : vector<16xf32>
      %mul3A_370 = arith.mulf %sub3A_369, %sub3A_369 : vector<16xf32>
      %add3A_371 = arith.addf %scan3A_337, %mul3A_370 : vector<16xf32>
      %get3A_372 = arith.constant 2 : i32
      %get3A_373 = arith.index_cast %get3A_372 : i32 to index
      %get3A_374 = arith.index_cast %scan3A_335 : i32 to index
      %get3A_375 = arith.constant 32 : index
      %get3A_376 = tpu.vector_load %arg7[%get3A_373, %get3A_374, %get3A_375] {strides = array<i32>} : memref<3x128x128xf32, #tpu.memory_space<vmem>>, vector<1x1x16xf32>,
      %get3A_377 = vector.shape_cast %get3A_376 : vector<1x1x16xf32> to vector<16xf32>
      %get3A_378 = arith.constant 2 : i32
      %get3A_379 = arith.index_cast %get3A_378 : i32 to index
      %get3A_380 = arith.index_cast %scan3A_335 : i32 to index
      %get3A_381 = arith.constant 32 : index
      %get3A_382 = tpu.vector_load %arg8[%get3A_379, %get3A_380, %get3A_381] {strides = array<i32>} : memref<3x128x128xf32, #tpu.memory_space<vmem>>, vector<1x1x16xf32>,
      %get3A_383 = vector.shape_cast %get3A_382 : vector<1x1x16xf32> to vector<16xf32>
      %sub3A_384 = arith.subf %get3A_377, %get3A_383 : vector<16xf32>
      %mul3A_385 = arith.mulf %sub3A_384, %sub3A_384 : vector<16xf32>
      %add3A_386 = arith.addf %scan3A_338, %mul3A_385 : vector<16xf32>
      %get3A_387 = arith.constant 2 : i32
      %get3A_388 = arith.index_cast %get3A_387 : i32 to index
      %get3A_389 = arith.index_cast %scan3A_335 : i32 to index
      %get3A_390 = arith.constant 48 : index
      %get3A_391 = tpu.vector_load %arg7[%get3A_388, %get3A_389, %get3A_390] {strides = array<i32>} : memref<3x128x128xf32, #tpu.memory_space<vmem>>, vector<1x1x16xf32>,
      %get3A_392 = vector.shape_cast %get3A_391 : vector<1x1x16xf32> to vector<16xf32>
      %get3A_393 = arith.constant 2 : i32
      %get3A_394 = arith.index_cast %get3A_393 : i32 to index
      %get3A_395 = arith.index_cast %scan3A_335 : i32 to index
      %get3A_396 = arith.constant 48 : index
      %get3A_397 = tpu.vector_load %arg8[%get3A_394, %get3A_395, %get3A_396] {strides = array<i32>} : memref<3x128x128xf32, #tpu.memory_space<vmem>>, vector<1x1x16xf32>,
      %get3A_398 = vector.shape_cast %get3A_397 : vector<1x1x16xf32> to vector<16xf32>
      %sub3A_399 = arith.subf %get3A_392, %get3A_398 : vector<16xf32>
      %mul3A_400 = arith.mulf %sub3A_399, %sub3A_399 : vector<16xf32>
      %add3A_401 = arith.addf %scan3A_339, %mul3A_400 : vector<16xf32>
      %get3A_402 = arith.constant 2 : i32
      %get3A_403 = arith.index_cast %get3A_402 : i32 to index
      %get3A_404 = arith.index_cast %scan3A_335 : i32 to index
      %get3A_405 = arith.constant 64 : index
      %get3A_406 = tpu.vector_load %arg7[%get3A_403, %get3A_404, %get3A_405] {strides = array<i32>} : memref<3x128x128xf32, #tpu.memory_space<vmem>>, vector<1x1x16xf32>,
      %get3A_407 = vector.shape_cast %get3A_406 : vector<1x1x16xf32> to vector<16xf32>
      %get3A_408 = arith.constant 2 : i32
      %get3A_409 = arith.index_cast %get3A_408 : i32 to index
      %get3A_410 = arith.index_cast %scan3A_335 : i32 to index
      %get3A_411 = arith.constant 64 : index
      %get3A_412 = tpu.vector_load %arg8[%get3A_409, %get3A_410, %get3A_411] {strides = array<i32>} : memref<3x128x128xf32, #tpu.memory_space<vmem>>, vector<1x1x16xf32>,
      %get3A_413 = vector.shape_cast %get3A_412 : vector<1x1x16xf32> to vector<16xf32>
      %sub3A_414 = arith.subf %get3A_407, %get3A_413 : vector<16xf32>
      %mul3A_415 = arith.mulf %sub3A_414, %sub3A_414 : vector<16xf32>
      %add3A_416 = arith.addf %scan3A_340, %mul3A_415 : vector<16xf32>
      %get3A_417 = arith.constant 2 : i32
      %get3A_418 = arith.index_cast %get3A_417 : i32 to index
      %get3A_419 = arith.index_cast %scan3A_335 : i32 to index
      %get3A_420 = arith.constant 80 : index
      %get3A_421 = tpu.vector_load %arg7[%get3A_418, %get3A_419, %get3A_420] {strides = array<i32>} : memref<3x128x128xf32, #tpu.memory_space<vmem>>, vector<1x1x16xf32>,
      %get3A_422 = vector.shape_cast %get3A_421 : vector<1x1x16xf32> to vector<16xf32>
      %get3A_423 = arith.constant 2 : i32
      %get3A_424 = arith.index_cast %get3A_423 : i32 to index
      %get3A_425 = arith.index_cast %scan3A_335 : i32 to index
      %get3A_426 = arith.constant 80 : index
      %get3A_427 = tpu.vector_load %arg8[%get3A_424, %get3A_425, %get3A_426] {strides = array<i32>} : memref<3x128x128xf32, #tpu.memory_space<vmem>>, vector<1x1x16xf32>,
      %get3A_428 = vector.shape_cast %get3A_427 : vector<1x1x16xf32> to vector<16xf32>
      %sub3A_429 = arith.subf %get3A_422, %get3A_428 : vector<16xf32>
      %mul3A_430 = arith.mulf %sub3A_429, %sub3A_429 : vector<16xf32>
      %add3A_431 = arith.addf %scan3A_341, %mul3A_430 : vector<16xf32>
      %get3A_432 = arith.constant 2 : i32
      %get3A_433 = arith.index_cast %get3A_432 : i32 to index
      %get3A_434 = arith.index_cast %scan3A_335 : i32 to index
      %get3A_435 = arith.constant 96 : index
      %get3A_436 = tpu.vector_load %arg7[%get3A_433, %get3A_434, %get3A_435] {strides = array<i32>} : memref<3x128x128xf32, #tpu.memory_space<vmem>>, vector<1x1x16xf32>,
      %get3A_437 = vector.shape_cast %get3A_436 : vector<1x1x16xf32> to vector<16xf32>
      %get3A_438 = arith.constant 2 : i32
      %get3A_439 = arith.index_cast %get3A_438 : i32 to index
      %get3A_440 = arith.index_cast %scan3A_335 : i32 to index
      %get3A_441 = arith.constant 96 : index
      %get3A_442 = tpu.vector_load %arg8[%get3A_439, %get3A_440, %get3A_441] {strides = array<i32>} : memref<3x128x128xf32, #tpu.memory_space<vmem>>, vector<1x1x16xf32>,
      %get3A_443 = vector.shape_cast %get3A_442 : vector<1x1x16xf32> to vector<16xf32>
      %sub3A_444 = arith.subf %get3A_437, %get3A_443 : vector<16xf32>
      %mul3A_445 = arith.mulf %sub3A_444, %sub3A_444 : vector<16xf32>
      %add3A_446 = arith.addf %scan3A_342, %mul3A_445 : vector<16xf32>
      %get3A_447 = arith.constant 2 : i32
      %get3A_448 = arith.index_cast %get3A_447 : i32 to index
      %get3A_449 = arith.index_cast %scan3A_335 : i32 to index
      %get3A_450 = arith.constant 112 : index
      %get3A_451 = tpu.vector_load %arg7[%get3A_448, %get3A_449, %get3A_450] {strides = array<i32>} : memref<3x128x128xf32, #tpu.memory_space<vmem>>, vector<1x1x16xf32>,
      %get3A_452 = vector.shape_cast %get3A_451 : vector<1x1x16xf32> to vector<16xf32>
      %get3A_453 = arith.constant 2 : i32
      %get3A_454 = arith.index_cast %get3A_453 : i32 to index
      %get3A_455 = arith.index_cast %scan3A_335 : i32 to index
      %get3A_456 = arith.constant 112 : index
      %get3A_457 = tpu.vector_load %arg8[%get3A_454, %get3A_455, %get3A_456] {strides = array<i32>} : memref<3x128x128xf32, #tpu.memory_space<vmem>>, vector<1x1x16xf32>,
      %get3A_458 = vector.shape_cast %get3A_457 : vector<1x1x16xf32> to vector<16xf32>
      %sub3A_459 = arith.subf %get3A_452, %get3A_458 : vector<16xf32>
      %mul3A_460 = arith.mulf %sub3A_459, %sub3A_459 : vector<16xf32>
      %add3A_461 = arith.addf %scan3A_343, %mul3A_460 : vector<16xf32>
      scf.yield %add3A_356, %add3A_371, %add3A_386, %add3A_401, %add3A_416, %add3A_431, %add3A_446, %add3A_461 : vector<16xf32>, vector<16xf32>, vector<16xf32>, vector<16xf32>, vector<16xf32>, vector<16xf32>, vector<16xf32>, vector<16xf32>
    }
    %scan3A_212 = arith.constant 128 : i32
    %add3A_213 = arith.constant 480 : i32
    %add3A_214 = arith.addi %mul3A_2, %add3A_213 : i32
    %dma_start3A_215 = arith.constant 2 : i32
    %dma_start3A_216 = arith.constant 0 : i32
    %dma_start3A_217 = arith.constant 0 : i32
    %dma_start3A_218 = tpu.memref_slice %arg7[%dma_start3A_215, %dma_start3A_216, %dma_start3A_217] : memref<3x128x128xf32, #tpu.memory_space<vmem>> -> memref<1x32x128xf32, #tpu.memory_space<vmem>>
    %dma_start3A_219 = tpu.memref_squeeze %dma_start3A_218 : memref<1x32x128xf32, #tpu.memory_space<vmem>> -> memref<32x128xf32, #tpu.memory_space<vmem>>
    %dma_start3A_220 = arith.constant 0 : i32
    %dma_start3A_221 = tpu.memref_slice %arg2[%add3A_214, %dma_start3A_220] : memref<16384x128xf32, #tpu.memory_space<hbm>> -> memref<32x128xf32, #tpu.memory_space<hbm>>
    %dma_start3A_222 = arith.constant 0 : i32
    %dma_start3A_223 = arith.constant 0 : i32
    %dma_start3A_224 = tpu.memref_slice %arg7[%dma_start3A_215, %dma_start3A_222, %dma_start3A_223] : memref<3x128x128xf32, #tpu.memory_space<vmem>> -> memref<1x32x128xf32, #tpu.memory_space<vmem>>
    %dma_start3A_225 = tpu.memref_squeeze %dma_start3A_224 : memref<1x32x128xf32, #tpu.memory_space<vmem>> -> memref<32x128xf32, #tpu.memory_space<vmem>>
    %dma_start3A_226 = arith.constant 0 : i32
    %dma_start3A_227 = tpu.memref_slice %arg2[%add3A_214, %dma_start3A_226] : memref<16384x128xf32, #tpu.memory_space<hbm>> -> memref<32x128xf32, #tpu.memory_space<hbm>>
    tpu.enqueue_dma source(%dma_start3A_227 : memref<32x128xf32, #tpu.memory_space<hbm>>) target(%dma_start3A_225 : memref<32x128xf32, #tpu.memory_space<vmem>>) target_semaphore(%arg12 : memref<!tpu.dma_semaphore, #tpu.memory_space<semaphore_mem>>)
    %dma_start3A_228 = arith.constant 2 : i32
    %dma_start3A_229 = arith.constant 0 : i32
    %dma_start3A_230 = arith.constant 0 : i32
    %dma_start3A_231 = tpu.memref_slice %arg8[%dma_start3A_228, %dma_start3A_229, %dma_start3A_230] : memref<3x128x128xf32, #tpu.memory_space<vmem>> -> memref<1x32x128xf32, #tpu.memory_space<vmem>>
    %dma_start3A_232 = tpu.memref_squeeze %dma_start3A_231 : memref<1x32x128xf32, #tpu.memory_space<vmem>> -> memref<32x128xf32, #tpu.memory_space<vmem>>
    %dma_start3A_233 = arith.constant 480 : i32
    %dma_start3A_234 = tpu.memref_slice %arg6[%dma_start3A_233] : memref<512xi32, #tpu.memory_space<vmem>> -> memref<32xi32, #tpu.memory_space<vmem>>
    %dma_start3A_235 = arith.constant 0 : i32
    %dma_start3A_236 = arith.constant 0 : i32
    %dma_start3A_237 = tpu.memref_slice %arg4[%dma_start3A_235, %dma_start3A_236] : memref<100000x128xf32, #tpu.memory_space<hbm>> -> memref<100000x128xf32, #tpu.memory_space<hbm>>
    tpu.enqueue_indirect_dma source(%dma_start3A_237 : memref<100000x128xf32, #tpu.memory_space<hbm>>) target(%dma_start3A_232 : memref<32x128xf32, #tpu.memory_space<vmem>>) offsets(%dma_start3A_234 : memref<32xi32, #tpu.memory_space<vmem>>) semaphore(%arg12 : memref<!tpu.dma_semaphore, #tpu.memory_space<semaphore_mem>>)
    %dma_wait3A_238 = arith.constant 0 : i32
    %dma_wait3A_239 = arith.constant 0 : i32
    %dma_wait3A_240 = arith.constant 0 : i32
    %dma_wait3A_241 = tpu.memref_slice %arg7[%dma_wait3A_238, %dma_wait3A_239, %dma_wait3A_240] : memref<3x128x128xf32, #tpu.memory_space<vmem>> -> memref<1x128x128xf32, #tpu.memory_space<vmem>>
    %dma_wait3A_242 = tpu.memref_squeeze %dma_wait3A_241 : memref<1x128x128xf32, #tpu.memory_space<vmem>> -> memref<128x128xf32, #tpu.memory_space<vmem>>
    %dma_wait3A_243 = arith.constant 0 : i32
    %dma_wait3A_244 = tpu.memref_slice %arg2[%add3A_106, %dma_wait3A_243] : memref<16384x128xf32, #tpu.memory_space<hbm>> -> memref<128x128xf32, #tpu.memory_space<hbm>>
    %dma_wait3A_245 = arith.constant 0 : i32
    %dma_wait3A_246 = arith.constant 0 : i32
    %dma_wait3A_247 = tpu.memref_slice %arg7[%dma_wait3A_238, %dma_wait3A_245, %dma_wait3A_246] : memref<3x128x128xf32, #tpu.memory_space<vmem>> -> memref<1x128x128xf32, #tpu.memory_space<vmem>>
    %dma_wait3A_248 = tpu.memref_squeeze %dma_wait3A_247 : memref<1x128x128xf32, #tpu.memory_space<vmem>> -> memref<128x128xf32, #tpu.memory_space<vmem>>
    %dma_wait3A_249 = arith.constant 0 : i32
    %dma_wait3A_250 = tpu.memref_slice %arg2[%add3A_106, %dma_wait3A_249] : memref<16384x128xf32, #tpu.memory_space<hbm>> -> memref<128x128xf32, #tpu.memory_space<hbm>>
    tpu.wait_dma2 semaphore(%arg10 : memref<!tpu.dma_semaphore, #tpu.memory_space<semaphore_mem>>) src(%dma_wait3A_250 : memref<128x128xf32, #tpu.memory_space<hbm>>) dst(%dma_wait3A_248 : memref<128x128xf32, #tpu.memory_space<vmem>>)
    %dma_wait3A_251 = arith.constant 0 : i32
    %dma_wait3A_252 = arith.constant 0 : i32
    %dma_wait3A_253 = arith.constant 0 : i32
    %dma_wait3A_254 = tpu.memref_slice %arg8[%dma_wait3A_251, %dma_wait3A_252, %dma_wait3A_253] : memref<3x128x128xf32, #tpu.memory_space<vmem>> -> memref<1x128x128xf32, #tpu.memory_space<vmem>>
    %dma_wait3A_255 = tpu.memref_squeeze %dma_wait3A_254 : memref<1x128x128xf32, #tpu.memory_space<vmem>> -> memref<128x128xf32, #tpu.memory_space<vmem>>
    %dma_wait3A_256 = arith.constant 256 : i32
    %dma_wait3A_257 = tpu.memref_slice %arg6[%dma_wait3A_256] : memref<512xi32, #tpu.memory_space<vmem>> -> memref<128xi32, #tpu.memory_space<vmem>>
    %dma_wait3A_258 = arith.constant 0 : i32
    %dma_wait3A_259 = arith.constant 0 : i32
    %dma_wait3A_260 = tpu.memref_slice %arg4[%dma_wait3A_258, %dma_wait3A_259] : memref<100000x128xf32, #tpu.memory_space<hbm>> -> memref<100000x128xf32, #tpu.memory_space<hbm>>
    tpu.wait_indirect_dma semaphore(%arg10 : memref<!tpu.dma_semaphore, #tpu.memory_space<semaphore_mem>>) src(%dma_wait3A_260 : memref<100000x128xf32, #tpu.memory_space<hbm>>) dst(%dma_wait3A_255 : memref<128x128xf32, #tpu.memory_space<vmem>>)
    %scan3A_261 = arith.constant 0 : i32
    %scan3A_262 = arith.constant 128 : i32
    %scan3A_263 = arith.addi %scan3A_261, %scan3A_262 : i32
    %scan3A_264 = arith.constant 1 : i32
    %scan3A_265:8 = scf.for %scan3A_335 = %scan3A_261 to %scan3A_263 step %scan3A_264 iter_args(%scan3A_336 = %scan3A_211#0, %scan3A_337 = %scan3A_211#1, %scan3A_338 = %scan3A_211#2, %scan3A_339 = %scan3A_211#3, %scan3A_340 = %scan3A_211#4, %scan3A_341 = %scan3A_211#5, %scan3A_342 = %scan3A_211#6, %scan3A_343 = %scan3A_211#7) -> (vector<16xf32>, vector<16xf32>, vector<16xf32>, vector<16xf32>, vector<16xf32>, vector<16xf32>, vector<16xf32>, vector<16xf32>)  : i32 {
      %get3A = arith.constant 0 : i32
      %get3A_344 = arith.index_cast %get3A : i32 to index
      %get3A_345 = arith.index_cast %scan3A_335 : i32 to index
      %get3A_346 = arith.constant 0 : index
      %get3A_347 = tpu.vector_load %arg7[%get3A_344, %get3A_345, %get3A_346] {strides = array<i32>} : memref<3x128x128xf32, #tpu.memory_space<vmem>>, vector<1x1x16xf32>,
      %get3A_348 = vector.shape_cast %get3A_347 : vector<1x1x16xf32> to vector<16xf32>
      %get3A_349 = arith.constant 0 : i32
      %get3A_350 = arith.index_cast %get3A_349 : i32 to index
      %get3A_351 = arith.index_cast %scan3A_335 : i32 to index
      %get3A_352 = arith.constant 0 : index
      %get3A_353 = tpu.vector_load %arg8[%get3A_350, %get3A_351, %get3A_352] {strides = array<i32>} : memref<3x128x128xf32, #tpu.memory_space<vmem>>, vector<1x1x16xf32>,
      %get3A_354 = vector.shape_cast %get3A_353 : vector<1x1x16xf32> to vector<16xf32>
      %sub3A = arith.subf %get3A_348, %get3A_354 : vector<16xf32>
      %mul3A_355 = arith.mulf %sub3A, %sub3A : vector<16xf32>
      %add3A_356 = arith.addf %scan3A_336, %mul3A_355 : vector<16xf32>
      %get3A_357 = arith.constant 0 : i32
      %get3A_358 = arith.index_cast %get3A_357 : i32 to index
      %get3A_359 = arith.index_cast %scan3A_335 : i32 to index
      %get3A_360 = arith.constant 16 : index
      %get3A_361 = tpu.vector_load %arg7[%get3A_358, %get3A_359, %get3A_360] {strides = array<i32>} : memref<3x128x128xf32, #tpu.memory_space<vmem>>, vector<1x1x16xf32>,
      %get3A_362 = vector.shape_cast %get3A_361 : vector<1x1x16xf32> to vector<16xf32>
      %get3A_363 = arith.constant 0 : i32
      %get3A_364 = arith.index_cast %get3A_363 : i32 to index
      %get3A_365 = arith.index_cast %scan3A_335 : i32 to index
      %get3A_366 = arith.constant 16 : index
      %get3A_367 = tpu.vector_load %arg8[%get3A_364, %get3A_365, %get3A_366] {strides = array<i32>} : memref<3x128x128xf32, #tpu.memory_space<vmem>>, vector<1x1x16xf32>,
      %get3A_368 = vector.shape_cast %get3A_367 : vector<1x1x16xf32> to vector<16xf32>
      %sub3A_369 = arith.subf %get3A_362, %get3A_368 : vector<16xf32>
      %mul3A_370 = arith.mulf %sub3A_369, %sub3A_369 : vector<16xf32>
      %add3A_371 = arith.addf %scan3A_337, %mul3A_370 : vector<16xf32>
      %get3A_372 = arith.constant 0 : i32
      %get3A_373 = arith.index_cast %get3A_372 : i32 to index
      %get3A_374 = arith.index_cast %scan3A_335 : i32 to index
      %get3A_375 = arith.constant 32 : index
      %get3A_376 = tpu.vector_load %arg7[%get3A_373, %get3A_374, %get3A_375] {strides = array<i32>} : memref<3x128x128xf32, #tpu.memory_space<vmem>>, vector<1x1x16xf32>,
      %get3A_377 = vector.shape_cast %get3A_376 : vector<1x1x16xf32> to vector<16xf32>
      %get3A_378 = arith.constant 0 : i32
      %get3A_379 = arith.index_cast %get3A_378 : i32 to index
      %get3A_380 = arith.index_cast %scan3A_335 : i32 to index
      %get3A_381 = arith.constant 32 : index
      %get3A_382 = tpu.vector_load %arg8[%get3A_379, %get3A_380, %get3A_381] {strides = array<i32>} : memref<3x128x128xf32, #tpu.memory_space<vmem>>, vector<1x1x16xf32>,
      %get3A_383 = vector.shape_cast %get3A_382 : vector<1x1x16xf32> to vector<16xf32>
      %sub3A_384 = arith.subf %get3A_377, %get3A_383 : vector<16xf32>
      %mul3A_385 = arith.mulf %sub3A_384, %sub3A_384 : vector<16xf32>
      %add3A_386 = arith.addf %scan3A_338, %mul3A_385 : vector<16xf32>
      %get3A_387 = arith.constant 0 : i32
      %get3A_388 = arith.index_cast %get3A_387 : i32 to index
      %get3A_389 = arith.index_cast %scan3A_335 : i32 to index
      %get3A_390 = arith.constant 48 : index
      %get3A_391 = tpu.vector_load %arg7[%get3A_388, %get3A_389, %get3A_390] {strides = array<i32>} : memref<3x128x128xf32, #tpu.memory_space<vmem>>, vector<1x1x16xf32>,
      %get3A_392 = vector.shape_cast %get3A_391 : vector<1x1x16xf32> to vector<16xf32>
      %get3A_393 = arith.constant 0 : i32
      %get3A_394 = arith.index_cast %get3A_393 : i32 to index
      %get3A_395 = arith.index_cast %scan3A_335 : i32 to index
      %get3A_396 = arith.constant 48 : index
      %get3A_397 = tpu.vector_load %arg8[%get3A_394, %get3A_395, %get3A_396] {strides = array<i32>} : memref<3x128x128xf32, #tpu.memory_space<vmem>>, vector<1x1x16xf32>,
      %get3A_398 = vector.shape_cast %get3A_397 : vector<1x1x16xf32> to vector<16xf32>
      %sub3A_399 = arith.subf %get3A_392, %get3A_398 : vector<16xf32>
      %mul3A_400 = arith.mulf %sub3A_399, %sub3A_399 : vector<16xf32>
      %add3A_401 = arith.addf %scan3A_339, %mul3A_400 : vector<16xf32>
      %get3A_402 = arith.constant 0 : i32
      %get3A_403 = arith.index_cast %get3A_402 : i32 to index
      %get3A_404 = arith.index_cast %scan3A_335 : i32 to index
      %get3A_405 = arith.constant 64 : index
      %get3A_406 = tpu.vector_load %arg7[%get3A_403, %get3A_404, %get3A_405] {strides = array<i32>} : memref<3x128x128xf32, #tpu.memory_space<vmem>>, vector<1x1x16xf32>,
      %get3A_407 = vector.shape_cast %get3A_406 : vector<1x1x16xf32> to vector<16xf32>
      %get3A_408 = arith.constant 0 : i32
      %get3A_409 = arith.index_cast %get3A_408 : i32 to index
      %get3A_410 = arith.index_cast %scan3A_335 : i32 to index
      %get3A_411 = arith.constant 64 : index
      %get3A_412 = tpu.vector_load %arg8[%get3A_409, %get3A_410, %get3A_411] {strides = array<i32>} : memref<3x128x128xf32, #tpu.memory_space<vmem>>, vector<1x1x16xf32>,
      %get3A_413 = vector.shape_cast %get3A_412 : vector<1x1x16xf32> to vector<16xf32>
      %sub3A_414 = arith.subf %get3A_407, %get3A_413 : vector<16xf32>
      %mul3A_415 = arith.mulf %sub3A_414, %sub3A_414 : vector<16xf32>
      %add3A_416 = arith.addf %scan3A_340, %mul3A_415 : vector<16xf32>
      %get3A_417 = arith.constant 0 : i32
      %get3A_418 = arith.index_cast %get3A_417 : i32 to index
      %get3A_419 = arith.index_cast %scan3A_335 : i32 to index
      %get3A_420 = arith.constant 80 : index
      %get3A_421 = tpu.vector_load %arg7[%get3A_418, %get3A_419, %get3A_420] {strides = array<i32>} : memref<3x128x128xf32, #tpu.memory_space<vmem>>, vector<1x1x16xf32>,
      %get3A_422 = vector.shape_cast %get3A_421 : vector<1x1x16xf32> to vector<16xf32>
      %get3A_423 = arith.constant 0 : i32
      %get3A_424 = arith.index_cast %get3A_423 : i32 to index
      %get3A_425 = arith.index_cast %scan3A_335 : i32 to index
      %get3A_426 = arith.constant 80 : index
      %get3A_427 = tpu.vector_load %arg8[%get3A_424, %get3A_425, %get3A_426] {strides = array<i32>} : memref<3x128x128xf32, #tpu.memory_space<vmem>>, vector<1x1x16xf32>,
      %get3A_428 = vector.shape_cast %get3A_427 : vector<1x1x16xf32> to vector<16xf32>
      %sub3A_429 = arith.subf %get3A_422, %get3A_428 : vector<16xf32>
      %mul3A_430 = arith.mulf %sub3A_429, %sub3A_429 : vector<16xf32>
      %add3A_431 = arith.addf %scan3A_341, %mul3A_430 : vector<16xf32>
      %get3A_432 = arith.constant 0 : i32
      %get3A_433 = arith.index_cast %get3A_432 : i32 to index
      %get3A_434 = arith.index_cast %scan3A_335 : i32 to index
      %get3A_435 = arith.constant 96 : index
      %get3A_436 = tpu.vector_load %arg7[%get3A_433, %get3A_434, %get3A_435] {strides = array<i32>} : memref<3x128x128xf32, #tpu.memory_space<vmem>>, vector<1x1x16xf32>,
      %get3A_437 = vector.shape_cast %get3A_436 : vector<1x1x16xf32> to vector<16xf32>
      %get3A_438 = arith.constant 0 : i32
      %get3A_439 = arith.index_cast %get3A_438 : i32 to index
      %get3A_440 = arith.index_cast %scan3A_335 : i32 to index
      %get3A_441 = arith.constant 96 : index
      %get3A_442 = tpu.vector_load %arg8[%get3A_439, %get3A_440, %get3A_441] {strides = array<i32>} : memref<3x128x128xf32, #tpu.memory_space<vmem>>, vector<1x1x16xf32>,
      %get3A_443 = vector.shape_cast %get3A_442 : vector<1x1x16xf32> to vector<16xf32>
      %sub3A_444 = arith.subf %get3A_437, %get3A_443 : vector<16xf32>
      %mul3A_445 = arith.mulf %sub3A_444, %sub3A_444 : vector<16xf32>
      %add3A_446 = arith.addf %scan3A_342, %mul3A_445 : vector<16xf32>
      %get3A_447 = arith.constant 0 : i32
      %get3A_448 = arith.index_cast %get3A_447 : i32 to index
      %get3A_449 = arith.index_cast %scan3A_335 : i32 to index
      %get3A_450 = arith.constant 112 : index
      %get3A_451 = tpu.vector_load %arg7[%get3A_448, %get3A_449, %get3A_450] {strides = array<i32>} : memref<3x128x128xf32, #tpu.memory_space<vmem>>, vector<1x1x16xf32>,
      %get3A_452 = vector.shape_cast %get3A_451 : vector<1x1x16xf32> to vector<16xf32>
      %get3A_453 = arith.constant 0 : i32
      %get3A_454 = arith.index_cast %get3A_453 : i32 to index
      %get3A_455 = arith.index_cast %scan3A_335 : i32 to index
      %get3A_456 = arith.constant 112 : index
      %get3A_457 = tpu.vector_load %arg8[%get3A_454, %get3A_455, %get3A_456] {strides = array<i32>} : memref<3x128x128xf32, #tpu.memory_space<vmem>>, vector<1x1x16xf32>,
      %get3A_458 = vector.shape_cast %get3A_457 : vector<1x1x16xf32> to vector<16xf32>
      %sub3A_459 = arith.subf %get3A_452, %get3A_458 : vector<16xf32>
      %mul3A_460 = arith.mulf %sub3A_459, %sub3A_459 : vector<16xf32>
      %add3A_461 = arith.addf %scan3A_343, %mul3A_460 : vector<16xf32>
      scf.yield %add3A_356, %add3A_371, %add3A_386, %add3A_401, %add3A_416, %add3A_431, %add3A_446, %add3A_461 : vector<16xf32>, vector<16xf32>, vector<16xf32>, vector<16xf32>, vector<16xf32>, vector<16xf32>, vector<16xf32>, vector<16xf32>
    }
    %scan3A_266 = arith.constant 128 : i32
    %dma_wait3A_267 = arith.constant 1 : i32
    %dma_wait3A_268 = arith.constant 0 : i32
    %dma_wait3A_269 = arith.constant 0 : i32
    %dma_wait3A_270 = tpu.memref_slice %arg7[%dma_wait3A_267, %dma_wait3A_268, %dma_wait3A_269] : memref<3x128x128xf32, #tpu.memory_space<vmem>> -> memref<1x96x128xf32, #tpu.memory_space<vmem>>
    %dma_wait3A_271 = tpu.memref_squeeze %dma_wait3A_270 : memref<1x96x128xf32, #tpu.memory_space<vmem>> -> memref<96x128xf32, #tpu.memory_space<vmem>>
    %dma_wait3A_272 = arith.constant 0 : i32
    %dma_wait3A_273 = tpu.memref_slice %arg2[%add3A_160, %dma_wait3A_272] : memref<16384x128xf32, #tpu.memory_space<hbm>> -> memref<96x128xf32, #tpu.memory_space<hbm>>
    %dma_wait3A_274 = arith.constant 0 : i32
    %dma_wait3A_275 = arith.constant 0 : i32
    %dma_wait3A_276 = tpu.memref_slice %arg7[%dma_wait3A_267, %dma_wait3A_274, %dma_wait3A_275] : memref<3x128x128xf32, #tpu.memory_space<vmem>> -> memref<1x96x128xf32, #tpu.memory_space<vmem>>
    %dma_wait3A_277 = tpu.memref_squeeze %dma_wait3A_276 : memref<1x96x128xf32, #tpu.memory_space<vmem>> -> memref<96x128xf32, #tpu.memory_space<vmem>>
    %dma_wait3A_278 = arith.constant 0 : i32
    %dma_wait3A_279 = tpu.memref_slice %arg2[%add3A_160, %dma_wait3A_278] : memref<16384x128xf32, #tpu.memory_space<hbm>> -> memref<96x128xf32, #tpu.memory_space<hbm>>
    tpu.wait_dma2 semaphore(%arg11 : memref<!tpu.dma_semaphore, #tpu.memory_space<semaphore_mem>>) src(%dma_wait3A_279 : memref<96x128xf32, #tpu.memory_space<hbm>>) dst(%dma_wait3A_277 : memref<96x128xf32, #tpu.memory_space<vmem>>)
    %dma_wait3A_280 = arith.constant 1 : i32
    %dma_wait3A_281 = arith.constant 0 : i32
    %dma_wait3A_282 = arith.constant 0 : i32
    %dma_wait3A_283 = tpu.memref_slice %arg8[%dma_wait3A_280, %dma_wait3A_281, %dma_wait3A_282] : memref<3x128x128xf32, #tpu.memory_space<vmem>> -> memref<1x96x128xf32, #tpu.memory_space<vmem>>
    %dma_wait3A_284 = tpu.memref_squeeze %dma_wait3A_283 : memref<1x96x128xf32, #tpu.memory_space<vmem>> -> memref<96x128xf32, #tpu.memory_space<vmem>>
    %dma_wait3A_285 = arith.constant 384 : i32
    %dma_wait3A_286 = tpu.memref_slice %arg6[%dma_wait3A_285] : memref<512xi32, #tpu.memory_space<vmem>> -> memref<96xi32, #tpu.memory_space<vmem>>
    %dma_wait3A_287 = arith.constant 0 : i32
    %dma_wait3A_288 = arith.constant 0 : i32
    %dma_wait3A_289 = tpu.memref_slice %arg4[%dma_wait3A_287, %dma_wait3A_288] : memref<100000x128xf32, #tpu.memory_space<hbm>> -> memref<100000x128xf32, #tpu.memory_space<hbm>>
    tpu.wait_indirect_dma semaphore(%arg11 : memref<!tpu.dma_semaphore, #tpu.memory_space<semaphore_mem>>) src(%dma_wait3A_289 : memref<100000x128xf32, #tpu.memory_space<hbm>>) dst(%dma_wait3A_284 : memref<96x128xf32, #tpu.memory_space<vmem>>)
    %scan3A_290 = arith.constant 0 : i32
    %scan3A_291 = arith.constant 96 : i32
    %scan3A_292 = arith.addi %scan3A_290, %scan3A_291 : i32
    %scan3A_293 = arith.constant 1 : i32
    %scan3A_294:8 = scf.for %scan3A_335 = %scan3A_290 to %scan3A_292 step %scan3A_293 iter_args(%scan3A_336 = %scan3A_265#0, %scan3A_337 = %scan3A_265#1, %scan3A_338 = %scan3A_265#2, %scan3A_339 = %scan3A_265#3, %scan3A_340 = %scan3A_265#4, %scan3A_341 = %scan3A_265#5, %scan3A_342 = %scan3A_265#6, %scan3A_343 = %scan3A_265#7) -> (vector<16xf32>, vector<16xf32>, vector<16xf32>, vector<16xf32>, vector<16xf32>, vector<16xf32>, vector<16xf32>, vector<16xf32>)  : i32 {
      %get3A = arith.constant 1 : i32
      %get3A_344 = arith.index_cast %get3A : i32 to index
      %get3A_345 = arith.index_cast %scan3A_335 : i32 to index
      %get3A_346 = arith.constant 0 : index
      %get3A_347 = tpu.vector_load %arg7[%get3A_344, %get3A_345, %get3A_346] {strides = array<i32>} : memref<3x128x128xf32, #tpu.memory_space<vmem>>, vector<1x1x16xf32>,
      %get3A_348 = vector.shape_cast %get3A_347 : vector<1x1x16xf32> to vector<16xf32>
      %get3A_349 = arith.constant 1 : i32
      %get3A_350 = arith.index_cast %get3A_349 : i32 to index
      %get3A_351 = arith.index_cast %scan3A_335 : i32 to index
      %get3A_352 = arith.constant 0 : index
      %get3A_353 = tpu.vector_load %arg8[%get3A_350, %get3A_351, %get3A_352] {strides = array<i32>} : memref<3x128x128xf32, #tpu.memory_space<vmem>>, vector<1x1x16xf32>,
      %get3A_354 = vector.shape_cast %get3A_353 : vector<1x1x16xf32> to vector<16xf32>
      %sub3A = arith.subf %get3A_348, %get3A_354 : vector<16xf32>
      %mul3A_355 = arith.mulf %sub3A, %sub3A : vector<16xf32>
      %add3A_356 = arith.addf %scan3A_336, %mul3A_355 : vector<16xf32>
      %get3A_357 = arith.constant 1 : i32
      %get3A_358 = arith.index_cast %get3A_357 : i32 to index
      %get3A_359 = arith.index_cast %scan3A_335 : i32 to index
      %get3A_360 = arith.constant 16 : index
      %get3A_361 = tpu.vector_load %arg7[%get3A_358, %get3A_359, %get3A_360] {strides = array<i32>} : memref<3x128x128xf32, #tpu.memory_space<vmem>>, vector<1x1x16xf32>,
      %get3A_362 = vector.shape_cast %get3A_361 : vector<1x1x16xf32> to vector<16xf32>
      %get3A_363 = arith.constant 1 : i32
      %get3A_364 = arith.index_cast %get3A_363 : i32 to index
      %get3A_365 = arith.index_cast %scan3A_335 : i32 to index
      %get3A_366 = arith.constant 16 : index
      %get3A_367 = tpu.vector_load %arg8[%get3A_364, %get3A_365, %get3A_366] {strides = array<i32>} : memref<3x128x128xf32, #tpu.memory_space<vmem>>, vector<1x1x16xf32>,
      %get3A_368 = vector.shape_cast %get3A_367 : vector<1x1x16xf32> to vector<16xf32>
      %sub3A_369 = arith.subf %get3A_362, %get3A_368 : vector<16xf32>
      %mul3A_370 = arith.mulf %sub3A_369, %sub3A_369 : vector<16xf32>
      %add3A_371 = arith.addf %scan3A_337, %mul3A_370 : vector<16xf32>
      %get3A_372 = arith.constant 1 : i32
      %get3A_373 = arith.index_cast %get3A_372 : i32 to index
      %get3A_374 = arith.index_cast %scan3A_335 : i32 to index
      %get3A_375 = arith.constant 32 : index
      %get3A_376 = tpu.vector_load %arg7[%get3A_373, %get3A_374, %get3A_375] {strides = array<i32>} : memref<3x128x128xf32, #tpu.memory_space<vmem>>, vector<1x1x16xf32>,
      %get3A_377 = vector.shape_cast %get3A_376 : vector<1x1x16xf32> to vector<16xf32>
      %get3A_378 = arith.constant 1 : i32
      %get3A_379 = arith.index_cast %get3A_378 : i32 to index
      %get3A_380 = arith.index_cast %scan3A_335 : i32 to index
      %get3A_381 = arith.constant 32 : index
      %get3A_382 = tpu.vector_load %arg8[%get3A_379, %get3A_380, %get3A_381] {strides = array<i32>} : memref<3x128x128xf32, #tpu.memory_space<vmem>>, vector<1x1x16xf32>,
      %get3A_383 = vector.shape_cast %get3A_382 : vector<1x1x16xf32> to vector<16xf32>
      %sub3A_384 = arith.subf %get3A_377, %get3A_383 : vector<16xf32>
      %mul3A_385 = arith.mulf %sub3A_384, %sub3A_384 : vector<16xf32>
      %add3A_386 = arith.addf %scan3A_338, %mul3A_385 : vector<16xf32>
      %get3A_387 = arith.constant 1 : i32
      %get3A_388 = arith.index_cast %get3A_387 : i32 to index
      %get3A_389 = arith.index_cast %scan3A_335 : i32 to index
      %get3A_390 = arith.constant 48 : index
      %get3A_391 = tpu.vector_load %arg7[%get3A_388, %get3A_389, %get3A_390] {strides = array<i32>} : memref<3x128x128xf32, #tpu.memory_space<vmem>>, vector<1x1x16xf32>,
      %get3A_392 = vector.shape_cast %get3A_391 : vector<1x1x16xf32> to vector<16xf32>
      %get3A_393 = arith.constant 1 : i32
      %get3A_394 = arith.index_cast %get3A_393 : i32 to index
      %get3A_395 = arith.index_cast %scan3A_335 : i32 to index
      %get3A_396 = arith.constant 48 : index
      %get3A_397 = tpu.vector_load %arg8[%get3A_394, %get3A_395, %get3A_396] {strides = array<i32>} : memref<3x128x128xf32, #tpu.memory_space<vmem>>, vector<1x1x16xf32>,
      %get3A_398 = vector.shape_cast %get3A_397 : vector<1x1x16xf32> to vector<16xf32>
      %sub3A_399 = arith.subf %get3A_392, %get3A_398 : vector<16xf32>
      %mul3A_400 = arith.mulf %sub3A_399, %sub3A_399 : vector<16xf32>
      %add3A_401 = arith.addf %scan3A_339, %mul3A_400 : vector<16xf32>
      %get3A_402 = arith.constant 1 : i32
      %get3A_403 = arith.index_cast %get3A_402 : i32 to index
      %get3A_404 = arith.index_cast %scan3A_335 : i32 to index
      %get3A_405 = arith.constant 64 : index
      %get3A_406 = tpu.vector_load %arg7[%get3A_403, %get3A_404, %get3A_405] {strides = array<i32>} : memref<3x128x128xf32, #tpu.memory_space<vmem>>, vector<1x1x16xf32>,
      %get3A_407 = vector.shape_cast %get3A_406 : vector<1x1x16xf32> to vector<16xf32>
      %get3A_408 = arith.constant 1 : i32
      %get3A_409 = arith.index_cast %get3A_408 : i32 to index
      %get3A_410 = arith.index_cast %scan3A_335 : i32 to index
      %get3A_411 = arith.constant 64 : index
      %get3A_412 = tpu.vector_load %arg8[%get3A_409, %get3A_410, %get3A_411] {strides = array<i32>} : memref<3x128x128xf32, #tpu.memory_space<vmem>>, vector<1x1x16xf32>,
      %get3A_413 = vector.shape_cast %get3A_412 : vector<1x1x16xf32> to vector<16xf32>
      %sub3A_414 = arith.subf %get3A_407, %get3A_413 : vector<16xf32>
      %mul3A_415 = arith.mulf %sub3A_414, %sub3A_414 : vector<16xf32>
      %add3A_416 = arith.addf %scan3A_340, %mul3A_415 : vector<16xf32>
      %get3A_417 = arith.constant 1 : i32
      %get3A_418 = arith.index_cast %get3A_417 : i32 to index
      %get3A_419 = arith.index_cast %scan3A_335 : i32 to index
      %get3A_420 = arith.constant 80 : index
      %get3A_421 = tpu.vector_load %arg7[%get3A_418, %get3A_419, %get3A_420] {strides = array<i32>} : memref<3x128x128xf32, #tpu.memory_space<vmem>>, vector<1x1x16xf32>,
      %get3A_422 = vector.shape_cast %get3A_421 : vector<1x1x16xf32> to vector<16xf32>
      %get3A_423 = arith.constant 1 : i32
      %get3A_424 = arith.index_cast %get3A_423 : i32 to index
      %get3A_425 = arith.index_cast %scan3A_335 : i32 to index
      %get3A_426 = arith.constant 80 : index
      %get3A_427 = tpu.vector_load %arg8[%get3A_424, %get3A_425, %get3A_426] {strides = array<i32>} : memref<3x128x128xf32, #tpu.memory_space<vmem>>, vector<1x1x16xf32>,
      %get3A_428 = vector.shape_cast %get3A_427 : vector<1x1x16xf32> to vector<16xf32>
      %sub3A_429 = arith.subf %get3A_422, %get3A_428 : vector<16xf32>
      %mul3A_430 = arith.mulf %sub3A_429, %sub3A_429 : vector<16xf32>
      %add3A_431 = arith.addf %scan3A_341, %mul3A_430 : vector<16xf32>
      %get3A_432 = arith.constant 1 : i32
      %get3A_433 = arith.index_cast %get3A_432 : i32 to index
      %get3A_434 = arith.index_cast %scan3A_335 : i32 to index
      %get3A_435 = arith.constant 96 : index
      %get3A_436 = tpu.vector_load %arg7[%get3A_433, %get3A_434, %get3A_435] {strides = array<i32>} : memref<3x128x128xf32, #tpu.memory_space<vmem>>, vector<1x1x16xf32>,
      %get3A_437 = vector.shape_cast %get3A_436 : vector<1x1x16xf32> to vector<16xf32>
      %get3A_438 = arith.constant 1 : i32
      %get3A_439 = arith.index_cast %get3A_438 : i32 to index
      %get3A_440 = arith.index_cast %scan3A_335 : i32 to index
      %get3A_441 = arith.constant 96 : index
      %get3A_442 = tpu.vector_load %arg8[%get3A_439, %get3A_440, %get3A_441] {strides = array<i32>} : memref<3x128x128xf32, #tpu.memory_space<vmem>>, vector<1x1x16xf32>,
      %get3A_443 = vector.shape_cast %get3A_442 : vector<1x1x16xf32> to vector<16xf32>
      %sub3A_444 = arith.subf %get3A_437, %get3A_443 : vector<16xf32>
      %mul3A_445 = arith.mulf %sub3A_444, %sub3A_444 : vector<16xf32>
      %add3A_446 = arith.addf %scan3A_342, %mul3A_445 : vector<16xf32>
      %get3A_447 = arith.constant 1 : i32
      %get3A_448 = arith.index_cast %get3A_447 : i32 to index
      %get3A_449 = arith.index_cast %scan3A_335 : i32 to index
      %get3A_450 = arith.constant 112 : index
      %get3A_451 = tpu.vector_load %arg7[%get3A_448, %get3A_449, %get3A_450] {strides = array<i32>} : memref<3x128x128xf32, #tpu.memory_space<vmem>>, vector<1x1x16xf32>,
      %get3A_452 = vector.shape_cast %get3A_451 : vector<1x1x16xf32> to vector<16xf32>
      %get3A_453 = arith.constant 1 : i32
      %get3A_454 = arith.index_cast %get3A_453 : i32 to index
      %get3A_455 = arith.index_cast %scan3A_335 : i32 to index
      %get3A_456 = arith.constant 112 : index
      %get3A_457 = tpu.vector_load %arg8[%get3A_454, %get3A_455, %get3A_456] {strides = array<i32>} : memref<3x128x128xf32, #tpu.memory_space<vmem>>, vector<1x1x16xf32>,
      %get3A_458 = vector.shape_cast %get3A_457 : vector<1x1x16xf32> to vector<16xf32>
      %sub3A_459 = arith.subf %get3A_452, %get3A_458 : vector<16xf32>
      %mul3A_460 = arith.mulf %sub3A_459, %sub3A_459 : vector<16xf32>
      %add3A_461 = arith.addf %scan3A_343, %mul3A_460 : vector<16xf32>
      scf.yield %add3A_356, %add3A_371, %add3A_386, %add3A_401, %add3A_416, %add3A_431, %add3A_446, %add3A_461 : vector<16xf32>, vector<16xf32>, vector<16xf32>, vector<16xf32>, vector<16xf32>, vector<16xf32>, vector<16xf32>, vector<16xf32>
    }
    %scan3A_295 = arith.constant 96 : i32
    %dma_wait3A_296 = arith.constant 2 : i32
    %dma_wait3A_297 = arith.constant 0 : i32
    %dma_wait3A_298 = arith.constant 0 : i32
    %dma_wait3A_299 = tpu.memref_slice %arg7[%dma_wait3A_296, %dma_wait3A_297, %dma_wait3A_298] : memref<3x128x128xf32, #tpu.memory_space<vmem>> -> memref<1x32x128xf32, #tpu.memory_space<vmem>>
    %dma_wait3A_300 = tpu.memref_squeeze %dma_wait3A_299 : memref<1x32x128xf32, #tpu.memory_space<vmem>> -> memref<32x128xf32, #tpu.memory_space<vmem>>
    %dma_wait3A_301 = arith.constant 0 : i32
    %dma_wait3A_302 = tpu.memref_slice %arg2[%add3A_214, %dma_wait3A_301] : memref<16384x128xf32, #tpu.memory_space<hbm>> -> memref<32x128xf32, #tpu.memory_space<hbm>>
    %dma_wait3A_303 = arith.constant 0 : i32
    %dma_wait3A_304 = arith.constant 0 : i32
    %dma_wait3A_305 = tpu.memref_slice %arg7[%dma_wait3A_296, %dma_wait3A_303, %dma_wait3A_304] : memref<3x128x128xf32, #tpu.memory_space<vmem>> -> memref<1x32x128xf32, #tpu.memory_space<vmem>>
    %dma_wait3A_306 = tpu.memref_squeeze %dma_wait3A_305 : memref<1x32x128xf32, #tpu.memory_space<vmem>> -> memref<32x128xf32, #tpu.memory_space<vmem>>
    %dma_wait3A_307 = arith.constant 0 : i32
    %dma_wait3A_308 = tpu.memref_slice %arg2[%add3A_214, %dma_wait3A_307] : memref<16384x128xf32, #tpu.memory_space<hbm>> -> memref<32x128xf32, #tpu.memory_space<hbm>>
    tpu.wait_dma2 semaphore(%arg12 : memref<!tpu.dma_semaphore, #tpu.memory_space<semaphore_mem>>) src(%dma_wait3A_308 : memref<32x128xf32, #tpu.memory_space<hbm>>) dst(%dma_wait3A_306 : memref<32x128xf32, #tpu.memory_space<vmem>>)
    %dma_wait3A_309 = arith.constant 2 : i32
    %dma_wait3A_310 = arith.constant 0 : i32
    %dma_wait3A_311 = arith.constant 0 : i32
    %dma_wait3A_312 = tpu.memref_slice %arg8[%dma_wait3A_309, %dma_wait3A_310, %dma_wait3A_311] : memref<3x128x128xf32, #tpu.memory_space<vmem>> -> memref<1x32x128xf32, #tpu.memory_space<vmem>>
    %dma_wait3A_313 = tpu.memref_squeeze %dma_wait3A_312 : memref<1x32x128xf32, #tpu.memory_space<vmem>> -> memref<32x128xf32, #tpu.memory_space<vmem>>
    %dma_wait3A_314 = arith.constant 480 : i32
    %dma_wait3A_315 = tpu.memref_slice %arg6[%dma_wait3A_314] : memref<512xi32, #tpu.memory_space<vmem>> -> memref<32xi32, #tpu.memory_space<vmem>>
    %dma_wait3A_316 = arith.constant 0 : i32
    %dma_wait3A_317 = arith.constant 0 : i32
    %dma_wait3A_318 = tpu.memref_slice %arg4[%dma_wait3A_316, %dma_wait3A_317] : memref<100000x128xf32, #tpu.memory_space<hbm>> -> memref<100000x128xf32, #tpu.memory_space<hbm>>
    tpu.wait_indirect_dma semaphore(%arg12 : memref<!tpu.dma_semaphore, #tpu.memory_space<semaphore_mem>>) src(%dma_wait3A_318 : memref<100000x128xf32, #tpu.memory_space<hbm>>) dst(%dma_wait3A_313 : memref<32x128xf32, #tpu.memory_space<vmem>>)
    %scan3A_319 = arith.constant 0 : i32
    %scan3A_320 = arith.constant 32 : i32
    %scan3A_321 = arith.addi %scan3A_319, %scan3A_320 : i32
    %scan3A_322 = arith.constant 1 : i32
    %scan3A_323:8 = scf.for %scan3A_335 = %scan3A_319 to %scan3A_321 step %scan3A_322 iter_args(%scan3A_336 = %scan3A_294#0, %scan3A_337 = %scan3A_294#1, %scan3A_338 = %scan3A_294#2, %scan3A_339 = %scan3A_294#3, %scan3A_340 = %scan3A_294#4, %scan3A_341 = %scan3A_294#5, %scan3A_342 = %scan3A_294#6, %scan3A_343 = %scan3A_294#7) -> (vector<16xf32>, vector<16xf32>, vector<16xf32>, vector<16xf32>, vector<16xf32>, vector<16xf32>, vector<16xf32>, vector<16xf32>)  : i32 {
      %get3A = arith.constant 2 : i32
      %get3A_344 = arith.index_cast %get3A : i32 to index
      %get3A_345 = arith.index_cast %scan3A_335 : i32 to index
      %get3A_346 = arith.constant 0 : index
      %get3A_347 = tpu.vector_load %arg7[%get3A_344, %get3A_345, %get3A_346] {strides = array<i32>} : memref<3x128x128xf32, #tpu.memory_space<vmem>>, vector<1x1x16xf32>,
      %get3A_348 = vector.shape_cast %get3A_347 : vector<1x1x16xf32> to vector<16xf32>
      %get3A_349 = arith.constant 2 : i32
      %get3A_350 = arith.index_cast %get3A_349 : i32 to index
      %get3A_351 = arith.index_cast %scan3A_335 : i32 to index
      %get3A_352 = arith.constant 0 : index
      %get3A_353 = tpu.vector_load %arg8[%get3A_350, %get3A_351, %get3A_352] {strides = array<i32>} : memref<3x128x128xf32, #tpu.memory_space<vmem>>, vector<1x1x16xf32>,
      %get3A_354 = vector.shape_cast %get3A_353 : vector<1x1x16xf32> to vector<16xf32>
      %sub3A = arith.subf %get3A_348, %get3A_354 : vector<16xf32>
      %mul3A_355 = arith.mulf %sub3A, %sub3A : vector<16xf32>
      %add3A_356 = arith.addf %scan3A_336, %mul3A_355 : vector<16xf32>
      %get3A_357 = arith.constant 2 : i32
      %get3A_358 = arith.index_cast %get3A_357 : i32 to index
      %get3A_359 = arith.index_cast %scan3A_335 : i32 to index
      %get3A_360 = arith.constant 16 : index
      %get3A_361 = tpu.vector_load %arg7[%get3A_358, %get3A_359, %get3A_360] {strides = array<i32>} : memref<3x128x128xf32, #tpu.memory_space<vmem>>, vector<1x1x16xf32>,
      %get3A_362 = vector.shape_cast %get3A_361 : vector<1x1x16xf32> to vector<16xf32>
      %get3A_363 = arith.constant 2 : i32
      %get3A_364 = arith.index_cast %get3A_363 : i32 to index
      %get3A_365 = arith.index_cast %scan3A_335 : i32 to index
      %get3A_366 = arith.constant 16 : index
      %get3A_367 = tpu.vector_load %arg8[%get3A_364, %get3A_365, %get3A_366] {strides = array<i32>} : memref<3x128x128xf32, #tpu.memory_space<vmem>>, vector<1x1x16xf32>,
      %get3A_368 = vector.shape_cast %get3A_367 : vector<1x1x16xf32> to vector<16xf32>
      %sub3A_369 = arith.subf %get3A_362, %get3A_368 : vector<16xf32>
      %mul3A_370 = arith.mulf %sub3A_369, %sub3A_369 : vector<16xf32>
      %add3A_371 = arith.addf %scan3A_337, %mul3A_370 : vector<16xf32>
      %get3A_372 = arith.constant 2 : i32
      %get3A_373 = arith.index_cast %get3A_372 : i32 to index
      %get3A_374 = arith.index_cast %scan3A_335 : i32 to index
      %get3A_375 = arith.constant 32 : index
      %get3A_376 = tpu.vector_load %arg7[%get3A_373, %get3A_374, %get3A_375] {strides = array<i32>} : memref<3x128x128xf32, #tpu.memory_space<vmem>>, vector<1x1x16xf32>,
      %get3A_377 = vector.shape_cast %get3A_376 : vector<1x1x16xf32> to vector<16xf32>
      %get3A_378 = arith.constant 2 : i32
      %get3A_379 = arith.index_cast %get3A_378 : i32 to index
      %get3A_380 = arith.index_cast %scan3A_335 : i32 to index
      %get3A_381 = arith.constant 32 : index
      %get3A_382 = tpu.vector_load %arg8[%get3A_379, %get3A_380, %get3A_381] {strides = array<i32>} : memref<3x128x128xf32, #tpu.memory_space<vmem>>, vector<1x1x16xf32>,
      %get3A_383 = vector.shape_cast %get3A_382 : vector<1x1x16xf32> to vector<16xf32>
      %sub3A_384 = arith.subf %get3A_377, %get3A_383 : vector<16xf32>
      %mul3A_385 = arith.mulf %sub3A_384, %sub3A_384 : vector<16xf32>
      %add3A_386 = arith.addf %scan3A_338, %mul3A_385 : vector<16xf32>
      %get3A_387 = arith.constant 2 : i32
      %get3A_388 = arith.index_cast %get3A_387 : i32 to index
      %get3A_389 = arith.index_cast %scan3A_335 : i32 to index
      %get3A_390 = arith.constant 48 : index
      %get3A_391 = tpu.vector_load %arg7[%get3A_388, %get3A_389, %get3A_390] {strides = array<i32>} : memref<3x128x128xf32, #tpu.memory_space<vmem>>, vector<1x1x16xf32>,
      %get3A_392 = vector.shape_cast %get3A_391 : vector<1x1x16xf32> to vector<16xf32>
      %get3A_393 = arith.constant 2 : i32
      %get3A_394 = arith.index_cast %get3A_393 : i32 to index
      %get3A_395 = arith.index_cast %scan3A_335 : i32 to index
      %get3A_396 = arith.constant 48 : index
      %get3A_397 = tpu.vector_load %arg8[%get3A_394, %get3A_395, %get3A_396] {strides = array<i32>} : memref<3x128x128xf32, #tpu.memory_space<vmem>>, vector<1x1x16xf32>,
      %get3A_398 = vector.shape_cast %get3A_397 : vector<1x1x16xf32> to vector<16xf32>
      %sub3A_399 = arith.subf %get3A_392, %get3A_398 : vector<16xf32>
      %mul3A_400 = arith.mulf %sub3A_399, %sub3A_399 : vector<16xf32>
      %add3A_401 = arith.addf %scan3A_339, %mul3A_400 : vector<16xf32>
      %get3A_402 = arith.constant 2 : i32
      %get3A_403 = arith.index_cast %get3A_402 : i32 to index
      %get3A_404 = arith.index_cast %scan3A_335 : i32 to index
      %get3A_405 = arith.constant 64 : index
      %get3A_406 = tpu.vector_load %arg7[%get3A_403, %get3A_404, %get3A_405] {strides = array<i32>} : memref<3x128x128xf32, #tpu.memory_space<vmem>>, vector<1x1x16xf32>,
      %get3A_407 = vector.shape_cast %get3A_406 : vector<1x1x16xf32> to vector<16xf32>
      %get3A_408 = arith.constant 2 : i32
      %get3A_409 = arith.index_cast %get3A_408 : i32 to index
      %get3A_410 = arith.index_cast %scan3A_335 : i32 to index
      %get3A_411 = arith.constant 64 : index
      %get3A_412 = tpu.vector_load %arg8[%get3A_409, %get3A_410, %get3A_411] {strides = array<i32>} : memref<3x128x128xf32, #tpu.memory_space<vmem>>, vector<1x1x16xf32>,
      %get3A_413 = vector.shape_cast %get3A_412 : vector<1x1x16xf32> to vector<16xf32>
      %sub3A_414 = arith.subf %get3A_407, %get3A_413 : vector<16xf32>
      %mul3A_415 = arith.mulf %sub3A_414, %sub3A_414 : vector<16xf32>
      %add3A_416 = arith.addf %scan3A_340, %mul3A_415 : vector<16xf32>
      %get3A_417 = arith.constant 2 : i32
      %get3A_418 = arith.index_cast %get3A_417 : i32 to index
      %get3A_419 = arith.index_cast %scan3A_335 : i32 to index
      %get3A_420 = arith.constant 80 : index
      %get3A_421 = tpu.vector_load %arg7[%get3A_418, %get3A_419, %get3A_420] {strides = array<i32>} : memref<3x128x128xf32, #tpu.memory_space<vmem>>, vector<1x1x16xf32>,
      %get3A_422 = vector.shape_cast %get3A_421 : vector<1x1x16xf32> to vector<16xf32>
      %get3A_423 = arith.constant 2 : i32
      %get3A_424 = arith.index_cast %get3A_423 : i32 to index
      %get3A_425 = arith.index_cast %scan3A_335 : i32 to index
      %get3A_426 = arith.constant 80 : index
      %get3A_427 = tpu.vector_load %arg8[%get3A_424, %get3A_425, %get3A_426] {strides = array<i32>} : memref<3x128x128xf32, #tpu.memory_space<vmem>>, vector<1x1x16xf32>,
      %get3A_428 = vector.shape_cast %get3A_427 : vector<1x1x16xf32> to vector<16xf32>
      %sub3A_429 = arith.subf %get3A_422, %get3A_428 : vector<16xf32>
      %mul3A_430 = arith.mulf %sub3A_429, %sub3A_429 : vector<16xf32>
      %add3A_431 = arith.addf %scan3A_341, %mul3A_430 : vector<16xf32>
      %get3A_432 = arith.constant 2 : i32
      %get3A_433 = arith.index_cast %get3A_432 : i32 to index
      %get3A_434 = arith.index_cast %scan3A_335 : i32 to index
      %get3A_435 = arith.constant 96 : index
      %get3A_436 = tpu.vector_load %arg7[%get3A_433, %get3A_434, %get3A_435] {strides = array<i32>} : memref<3x128x128xf32, #tpu.memory_space<vmem>>, vector<1x1x16xf32>,
      %get3A_437 = vector.shape_cast %get3A_436 : vector<1x1x16xf32> to vector<16xf32>
      %get3A_438 = arith.constant 2 : i32
      %get3A_439 = arith.index_cast %get3A_438 : i32 to index
      %get3A_440 = arith.index_cast %scan3A_335 : i32 to index
      %get3A_441 = arith.constant 96 : index
      %get3A_442 = tpu.vector_load %arg8[%get3A_439, %get3A_440, %get3A_441] {strides = array<i32>} : memref<3x128x128xf32, #tpu.memory_space<vmem>>, vector<1x1x16xf32>,
      %get3A_443 = vector.shape_cast %get3A_442 : vector<1x1x16xf32> to vector<16xf32>
      %sub3A_444 = arith.subf %get3A_437, %get3A_443 : vector<16xf32>
      %mul3A_445 = arith.mulf %sub3A_444, %sub3A_444 : vector<16xf32>
      %add3A_446 = arith.addf %scan3A_342, %mul3A_445 : vector<16xf32>
      %get3A_447 = arith.constant 2 : i32
      %get3A_448 = arith.index_cast %get3A_447 : i32 to index
      %get3A_449 = arith.index_cast %scan3A_335 : i32 to index
      %get3A_450 = arith.constant 112 : index
      %get3A_451 = tpu.vector_load %arg7[%get3A_448, %get3A_449, %get3A_450] {strides = array<i32>} : memref<3x128x128xf32, #tpu.memory_space<vmem>>, vector<1x1x16xf32>,
      %get3A_452 = vector.shape_cast %get3A_451 : vector<1x1x16xf32> to vector<16xf32>
      %get3A_453 = arith.constant 2 : i32
      %get3A_454 = arith.index_cast %get3A_453 : i32 to index
      %get3A_455 = arith.index_cast %scan3A_335 : i32 to index
      %get3A_456 = arith.constant 112 : index
      %get3A_457 = tpu.vector_load %arg8[%get3A_454, %get3A_455, %get3A_456] {strides = array<i32>} : memref<3x128x128xf32, #tpu.memory_space<vmem>>, vector<1x1x16xf32>,
      %get3A_458 = vector.shape_cast %get3A_457 : vector<1x1x16xf32> to vector<16xf32>
      %sub3A_459 = arith.subf %get3A_452, %get3A_458 : vector<16xf32>
      %mul3A_460 = arith.mulf %sub3A_459, %sub3A_459 : vector<16xf32>
      %add3A_461 = arith.addf %scan3A_343, %mul3A_460 : vector<16xf32>
      scf.yield %add3A_356, %add3A_371, %add3A_386, %add3A_401, %add3A_416, %add3A_431, %add3A_446, %add3A_461 : vector<16xf32>, vector<16xf32>, vector<16xf32>, vector<16xf32>, vector<16xf32>, vector<16xf32>, vector<16xf32>, vector<16xf32>
    }
    %scan3A_324 = arith.constant 32 : i32
    %add3A_325 = arith.addf %scan3A_323#0, %scan3A_323#1 : vector<16xf32>
    %add3A_326 = arith.addf %add3A_325, %scan3A_323#2 : vector<16xf32>
    %add3A_327 = arith.addf %add3A_326, %scan3A_323#3 : vector<16xf32>
    %add3A_328 = arith.addf %add3A_327, %scan3A_323#4 : vector<16xf32>
    %add3A_329 = arith.addf %add3A_328, %scan3A_323#5 : vector<16xf32>
    %add3A_330 = arith.addf %add3A_329, %scan3A_323#6 : vector<16xf32>
    %add3A_331 = arith.addf %add3A_330, %scan3A_323#7 : vector<16xf32>
    %swap3A = arith.constant 0 : index
    %swap3A_332 = tpu.vector_load %arg9[%swap3A] {strides = array<i32>} : memref<16xf32, #tpu.memory_space<vmem>>, vector<16xf32>,
    %swap3A_333 = vector.shape_cast %swap3A_332 : vector<16xf32> to vector<16xf32>
    %swap3A_334 = vector.shape_cast %add3A_331 : vector<16xf32> to vector<16xf32>
    tpu.vector_store %arg9[%swap3A], %swap3A_334 {strides = array<i32>} : memref<16xf32, #tpu.memory_space<vmem>>, vector<16xf32>,
    "tpu.region"() ({
      %run_scoped3A = tpu.sem_alloc : memref<!tpu.dma_semaphore, #tpu.memory_space<semaphore_mem>>
      %dma_start3A_335 = arith.constant 0 : i32
      %dma_start3A_336 = tpu.memref_slice %arg5[%add3A, %dma_start3A_335] : memref<32x16xf32, #tpu.memory_space<hbm>> -> memref<1x16xf32, #tpu.memory_space<hbm>>
      %dma_start3A_337 = tpu.memref_squeeze %dma_start3A_336 : memref<1x16xf32, #tpu.memory_space<hbm>> -> memref<16xf32, #tpu.memory_space<hbm>>
      %dma_start3A_338 = arith.constant 0 : i32
      %dma_start3A_339 = tpu.memref_slice %arg5[%add3A, %dma_start3A_338] : memref<32x16xf32, #tpu.memory_space<hbm>> -> memref<1x16xf32, #tpu.memory_space<hbm>>
      %dma_start3A_340 = tpu.memref_squeeze %dma_start3A_339 : memref<1x16xf32, #tpu.memory_space<hbm>> -> memref<16xf32, #tpu.memory_space<hbm>>
      tpu.enqueue_dma source(%arg9 : memref<16xf32, #tpu.memory_space<vmem>>) target(%dma_start3A_340 : memref<16xf32, #tpu.memory_space<hbm>>) target_semaphore(%run_scoped3A : memref<!tpu.dma_semaphore, #tpu.memory_space<semaphore_mem>>)
      %dma_wait3A_341 = arith.constant 0 : i32
      %dma_wait3A_342 = tpu.memref_slice %arg5[%add3A, %dma_wait3A_341] : memref<32x16xf32, #tpu.memory_space<hbm>> -> memref<1x16xf32, #tpu.memory_space<hbm>>
      %dma_wait3A_343 = tpu.memref_squeeze %dma_wait3A_342 : memref<1x16xf32, #tpu.memory_space<hbm>> -> memref<16xf32, #tpu.memory_space<hbm>>
      %dma_wait3A_344 = arith.constant 0 : i32
      %dma_wait3A_345 = tpu.memref_slice %arg5[%add3A, %dma_wait3A_344] : memref<32x16xf32, #tpu.memory_space<hbm>> -> memref<1x16xf32, #tpu.memory_space<hbm>>
      %dma_wait3A_346 = tpu.memref_squeeze %dma_wait3A_345 : memref<1x16xf32, #tpu.memory_space<hbm>> -> memref<16xf32, #tpu.memory_space<hbm>>
      tpu.wait_dma2 semaphore(%run_scoped3A : memref<!tpu.dma_semaphore, #tpu.memory_space<semaphore_mem>>) src(%arg9 : memref<16xf32, #tpu.memory_space<vmem>>) dst(%dma_wait3A_346 : memref<16xf32, #tpu.memory_space<hbm>>)
      tpu.yield
    }) : () -> ()
    return
  }
}

</mosaic_0001>

<sc_bundles>
// kernel: kernel.3.cloned.1.call-start
scs
__scs_entry_jumppad:
0x0: {  	(pc) =	sbr.rel $0x88, $3  }
0x1: {  	(tag) =	ssettag $0x0;
	lr =	simm.s32 $0x1  }
0x2: {  	[smem:$0x3F9E] =	sst lr;
	_ =	strace $0xD0000000  }
0x3: {  	_ = 	snop  }
0x4: {  	_ = 	snop  }
0x5: {  	_ = 	snop  }
0x6: {  	_ = 	snop  }
0x7: {  	_ = 	snop  }
__scs_overlays_trampoline_lowered:
0x8: {  	[smem:$0x3FAD] =	sst s0  }
0x9: {  	[smem:$0x3FAE] =	sst s1  }
0xa: {  	[smem:$0x3FAF] =	sst s2  }
0xb: {  	[smem:$0x3FB0] =	sst s3  }
0xc: {  	[smem:$0x3FB1] =	sst s4  }
0xd: {  	[smem:$0x3FB2] =	sst s5  }
0xe: {  	[smem:$0x3FB3] =	sst s6  }
0xf: {  	[smem:$0x3FB4] =	sst s7  }
0x10: {  	[smem:$0x3FB5] =	sst s8  }
0x11: {  	[smem:$0x3FB6] =	sst s9;
	s0 =	simm.s32 @!p0 $0x0  }
0x12: {  	s1 =	sld [smem:$0x3F9C];
	s0 =	simm.s32 @p0 $0x1  }
0x13: {  	[smem:$0x3FB7] =	sst s0;
	s0 =	simm.s32 @!p1 $0x0  }
0x14: {  	s2 =	sld [smem:$0x3F9B];
	s0 =	simm.s32 @p1 $0x1  }
0x15: {  	[smem:$0x3FB8] =	sst s0;
	s0 =	simm.s32 @!p2 $0x0  }
0x16: {  	s3 =	sld [smem:$0x3FDB];
	s0 =	simm.s32 @p2 $0x1  }
0x17: {  	s4 =	simm.s32 $0x1BF5;
	[smem:$0x3FBA] =	sst s0  }
0x18: {  	s0 =	sld [smem:$0x3F9D];
	_ =	swait.ge [sflag:s4], $0x0  }
0x19: {  	s7 =	sld [smem:$0x3F9E]  }
0x1a: {  	s8 =	sadd.s32 $0xFFFFE003, lr  }
0x1b: {  	s9 =	sadd.s32 $0xFFFFFEF7, lr;
	s5 =	simm.s32 $0xFFFFFFFF;
	p2 =	slt.u32 s8, $0xFFFFF086  }
0x1c: {  	p1 =	slt.u32 s9, $0xF7A;
	s5 =	simm.s32 @!p2 $0x0  }
0x1d: {  	s5 =	simm.s32 @p1 $0x1;
	p0 =	seq.s32 s7, s2  }
0x1e: {  	s7 =	smul.u32 @!p0 $0xF7A, s2;
	p2 =	seq.s32 @!p0 s5, $0x0  }
0x1f: {  	s9 =	smul.u32 $0xF7A, s1;
	s8 =	simm.s32 @!p0 $0x1BF5;
	p2 =	por !p2, p0  }
0x20: {  	[sflag:s8] =	ssyncset.s32 @!p0 $0xFFFFF086;
	s6 =	sadd.s32 @!p0 s3, s7;
	s7 =	simm.s32 @!p0 $0x108  }
0x21: {  	s3 =	sadd.s32 s3, s9;
	s6 =	sadd.s32 @!p0 $0x88, s6;
	s7 =	simm.s32 @p2 $0x1082  }
0x22: {  	[simem:s7], [sflag:s8] =	dma.local @!p0 [hbm:s6], $0xF7A  }
0x23: {  	s9 =	sor.u32 $0xD0000000, s2;
	s6 =	simm.s32 $0x108;
	_ =	swait.ge @!p0 [sflag:s8], $0x0  }
0x24: {  	s3 =	sadd.s32 $0x88, s3;
	s6 =	simm.s32 @!p1 $0x1082;
	[sflag:s4] =	ssyncset.s32 $0xFFFFF086  }
0x25: {  	[simem:s6], [sflag:s4] =	dma.local [hbm:s3], $0xF7A  }
0x26: {  	[smem:$0x3F9E] =	sst s1;
	(tag) =	ssettag s2;
	_ =	strace s9  }
0x27: {  	s1 =	sld [smem:$0x3FAE]  }
0x28: {  	s2 =	sld [smem:$0x3FAF]  }
0x29: {  	s4 =	sld [smem:$0x3FB1]  }
0x2a: {  	p0 =	seq.s32 s5, $0x0;
	s5 =	sld [smem:$0x3FB2]  }
0x2b: {  	s6 =	sld [smem:$0x3FB3]  }
0x2c: {  	s7 =	sld [smem:$0x3FB4]  }
0x2d: {  	s3 =	simm.s32 $0x108;
	s8 =	sld [smem:$0x3FB5]  }
0x2e: {  	s3 =	simm.s32 @!p0 $0x1082;
	s9 =	sld [smem:$0x3FB6]  }
0x2f: {  	lr =	sadd.s32 s0, s3;
	s0 =	sld [smem:$0x3FAD]  }
0x30: {  	s3 =	sld [smem:$0x3FB0]  }
0x31: {  	[smem:$0x3FB9] =	sst s10  }
0x32: {  	s10 =	sld [smem:$0x3FB7];
	_ =	sdelay $0x3  }
0x33: {  	p0 =	seq.s32 s10, $0x1;
	s10 =	sld [smem:$0x3FB9];
	_ =	sdelay $0x3  }
0x34: {  	[smem:$0x3FB9] =	sst s10  }
0x35: {  	s10 =	sld [smem:$0x3FB8];
	_ =	sdelay $0x3  }
0x36: {  	p1 =	seq.s32 s10, $0x1;
	s10 =	sld [smem:$0x3FB9];
	_ =	sdelay $0x3  }
0x37: {  	[smem:$0x3FB9] =	sst s10  }
0x38: {  	s10 =	sld [smem:$0x3FBA]  }
0x39: {  	_ = 	snop;
	(pc) =	sbr.ind lr, $3  }
0x3a: {  	_ = 	snop  }
0x3b: {  	_ = 	snop  }
0x3c: {  	p2 =	seq.s32 s10, $0x1;
	s10 =	sld [smem:$0x3FB9]  }
0x3d: {  	_ =	shalt  }
0x3e: {  	_ =	shalt  }
0x3f: {  	_ =	shalt  }
0x40: {  	_ =	shalt  }
0x41: {  	_ =	shalt  }
0x42: {  	_ =	shalt  }
0x43: {  	_ =	shalt  }
0x44: {  	_ =	shalt  }
0x45: {  	_ =	shalt  }
0x46: {  	_ =	shalt  }
0x47: {  	_ =	shalt  }
0x48: {  	_ =	shalt  }
0x49: {  	_ =	shalt  }
0x4a: {  	_ =	shalt  }
0x4b: {  	_ =	shalt  }
0x4c: {  	_ =	shalt  }
0x4d: {  	_ =	shalt  }
0x4e: {  	_ =	shalt  }
0x4f: {  	_ =	shalt  }
0x50: {  	_ =	shalt  }
0x51: {  	_ =	shalt  }
0x52: {  	_ =	shalt  }
0x53: {  	_ =	shalt  }
0x54: {  	_ =	shalt  }
0x55: {  	_ =	shalt  }
0x56: {  	_ =	shalt  }
0x57: {  	_ =	shalt  }
0x58: {  	_ =	shalt  }
0x59: {  	_ =	shalt  }
0x5a: {  	_ =	shalt  }
0x5b: {  	_ =	shalt  }
0x5c: {  	_ =	shalt  }
0x5d: {  	_ =	shalt  }
0x5e: {  	_ =	shalt  }
0x5f: {  	_ =	shalt  }
0x60: {  	_ =	shalt  }
0x61: {  	_ =	shalt  }
0x62: {  	_ =	shalt  }
0x63: {  	_ =	shalt  }
0x64: {  	_ =	shalt  }
0x65: {  	_ =	shalt  }
0x66: {  	_ =	shalt  }
0x67: {  	_ =	shalt  }
0x68: {  	_ =	shalt  }
0x69: {  	_ =	shalt  }
0x6a: {  	_ =	shalt  }
0x6b: {  	_ =	shalt  }
0x6c: {  	_ =	shalt  }
0x6d: {  	_ =	shalt  }
0x6e: {  	_ =	shalt  }
0x6f: {  	_ =	shalt  }
0x70: {  	_ =	shalt  }
0x71: {  	_ =	shalt  }
0x72: {  	_ =	shalt  }
0x73: {  	_ =	shalt  }
0x74: {  	_ =	shalt  }
0x75: {  	_ =	shalt  }
0x76: {  	_ =	shalt  }
0x77: {  	_ =	shalt  }
0x78: {  	_ =	shalt  }
0x79: {  	_ =	shalt  }
0x7a: {  	_ =	shalt  }
0x7b: {  	_ =	shalt  }
0x7c: {  	_ =	shalt  }
0x7d: {  	_ =	shalt  }
0x7e: {  	_ =	shalt  }
0x7f: {  	_ =	shalt  }
0x80: {  	_ =	shalt  }
0x81: {  	_ =	shalt  }
0x82: {  	_ =	shalt  }
0x83: {  	_ =	shalt  }
0x84: {  	_ =	shalt  }
0x85: {  	_ =	shalt  }
0x86: {  	_ =	shalt  }
0x87: {  	_ =	shalt  }
.Lfunc_end0:
.L_simem_size_0:
called_computation_lowered:
.L_overlay_start_0:
0x88: {  	s2 =	sld [smem:$0x3FD9]  }
0x89: {  	s3 =	sld [smem:$0x3FFE];
	_ =	sdelay $0x1  }
0x8a: {  	s1 =	srdreg.scid  }
0x8b: {  	s0 =	sand.u32 $0x1, s1  }
0x8c: {  	s17 =	sshll.u32 s0, $0xA;
	s2 =	sadd.s32 s3, s2  }
0x8d: {  	s2 =	sadd.s32 s2, s17  }
0x8e: {  	[smem:$0x3FC5] =	sst s2  }
0x8f: {  	_ = 	snop  }
0x90: {  	s2 =	sld [smem:$0x3FC9]  }
0x91: {  	s18 =	sld [smem:$0x3FC8]  }
0x92: {  	s4 =	sld [smem:$0x3FC7];
	(tm) =	ssettm $0x1  }
0x93: {  	s5 =	sld [smem:$0x3FFB];
	_ =	sdelay $0x3  }
0x94: {  	_ =	strace s5  }
0x95: {  	s5 =	sld [smem:$0x3FFC];
	_ =	sdelay $0x3  }
0x96: {  	_ =	strace s5  }
0x97: {  	s5 =	sld [smem:$0x3FFD];
	_ =	sdelay $0x3  }
0x98: {  	_ =	strace s5  }
0x99: {  	_ =	strace $0x8FFFFFFF  }
0x9a: {  	s19 =	sld [smem:$0x3FDB];
	_ =	sdelay $0x1  }
0x9b: {  	s6 =	simm.s32 $_scs_section_size  }
0x9c: {  	s7 =	simm.s32 $_size__tile_overlayer_lowered;
	s8 =	simm.s32 $_tile_overlayer_lowered  }
0x9d: {  	s22 =	simm.s32 $0x1BFF;
	s21 =	sshll.u32 s8, $0x1;
	s5 =	sadd.s32 s6, s19  }
0x9e: {  	s9 =	simm.s32 $0x0;
	s20 =	sshll.u32 s7, $0x1;
	s7 =	sadd.s32 s21, s5  }
0x9f: {  	[timem:s9], [sflag:s22] =	dma.local [hbm:s7], s20  }
0xa0: {  	_ =	swait.ge [sflag:s22], s20  }
0xa1: {  	s6 =	ssub.s32 $0x0, s20;
	[sflag:s22] =	ssyncset.done $0x0  }
0xa2: {  	[sflag:s22] =	ssyncadd.s32 s6;
	_ =	sdelay $0x1  }
0xa3: {  	s23 =	simm.s32 $0x1B8B  }
0xa4: {  	_ =	swait.ge [sflag:s23], $0x1  }
0xa5: {  	[sflag:s23] =	ssyncset.done $0x0  }
0xa6: {  	s25 =	simm.s32 $0x1B8E;
	s24 =	sld [smem:$0x3FFE];
	[sflag:s23] =	ssyncadd.s32 $0xFFFFFFFF  }
0xa7: {  	s26 =	simm.s32 $execute0_lowered;
	[smem:$0x3FD2] =	sst s25  }
0xa8: {  	s7 =	sshll.u32 s26, $0x1;
	_ =	strace $0x80000046;
	[dreg:$0x1] =	wrdreg $0xFFFFFFFF  }
0xa9: {  	s28 =	simm.s32 $_size_execute0_lowered;
	s5 =	sadd.s32 s5, s7;
	[dreg:$0x0] =	wrdreg $0x0  }
0xaa: {  	s7 =	sshll.u32 s28, $0x1;
	[dreg:$0x2] =	wrdreg s5  }
0xab: {  	[dreg:$0x3] =	wrdreg s7  }
0xac: {  	[dreg:$0x4] =	wrdreg $0xC0  }
0xad: {  	_ =	task [dreg:s9], $0x5FFFF  }
0xae: {  	[dreg:$0x1] =	wrdreg $0xFFFFFFFF  }
0xaf: {  	[dreg:$0x0] =	wrdreg $0x60  }
0xb0: {  	[dreg:$0x2] =	wrdreg s2  }
0xb1: {  	[dreg:$0x3] =	wrdreg s18  }
0xb2: {  	[dreg:$0x4] =	wrdreg s4  }
0xb3: {  	[dreg:$0x5] =	wrdreg s24  }
0xb4: {  	[dreg:$0x6] =	wrdreg $0x9  }
0xb5: {  	_ =	task.clear_ibuf [dreg:s9], $0x7FFFF;
	_ =	strace $0x90000046  }
0xb6: {  	s29 =	simm.s32 $0x9;
	_ =	strace $0x80000048  }
0xb7: {  	_ =	swait.ge [sflag:s29], $0x1  }
0xb8: {  	[sflag:s29] =	ssyncadd.s32 $0xFFFFFFFF  }
0xb9: {  	_ =	strace $0x90000048  }
0xba: {  	_ =	sfence  }
0xbb: {  	s30 =	sld [smem:$0x0];
	_ =	sdelay $0x2  }
0xbc: {  	s31 =	sshll.u32 s1, $0xD;
	s1 =	sshrl.u32 s1, $0x2  }
0xbd: {  	s3 =	sand.u32 $0x4000, s31;
	s1 =	sadd.s32 s1, s30  }
0xbe: {  	s0 =	sor.u32 s3, s0;
	s1 =	sshll.u32 s1, $0x11  }
0xbf: {  	s0 =	sor.u32 s1, s0  }
0xc0: {  	s0 =	sadd.s32 $0x8F2B, s0  }
0xc1: {  	[sflag:s0] =	ssyncadd.remote.s32 $0x1  }
0xc2: {  	_ =	sfence.sel $0xFFFF  }
0xc3: {  	[dreg:$0x0] =	wrdreg $0xFFFFFFFF;
	(pc) =	sbr.abs _section_cstart, $3  }
0xc4: {  	[dreg:$0x1] =	wrdreg $0xFFFFFFFF  }
0xc5: {  	_ =	task.clear_ibuf [dreg:s9], $0x2FFFF;
	_ =	strace $0x9FFFFFFF  }
0xc6: {  	(tm) =	ssettm $0x7FFFFFFF  }
0xc7: {  	_ =	shalt  }
tec
execute0_lowered:
.L_overlay_start_1:
0x0: {  	(tag) =	ssettag $0x1  }
0x1: {  	s0 =	rddreg [dreg:$0x0]  }
0x2: {  	s1 =	rddreg [dreg:$0x1]  }
0x3: {  	s2 =	rddreg [dreg:$0x2]  }
0x4: {  	s11 =	rddreg [dreg:$0x3]  }
0x5: {  	s4 =	srdreg.scid;
	s5 =	stileid.u32  }
0x6: {  	s3 =	simm.s32 $0x0;
	s13 =	simm.s32 $0x4;
	s14 =	simm.s32 $0x200  }
0x7: {  	s15 =	simm.s32 $0x20;
	s16 =	simm.s32 $0xC200;
	s17 =	simm.s32 $0x4200  }
0x8: {  	s18 =	simm.s32 $0x60;
	s19 =	simm.s32 $0x10200;
	s20 =	simm.s32 $0x8200  }
0x9: {  	s21 =	simm.s32 $0x80;
	s22 =	simm.s32 $0x14200;
	s23 =	simm.s32 $0x1  }
0xa: {  	s28 =	simm.s32 $0x3;
	s29 =	simm.s32 $0x1E0;
	s30 =	simm.s32 $0x18200  }
0xb: {  	s31 =	simm.s32 $0x0;
	s4 =	sand.u32 $0x1, s4;
	s5 =	sshll.u32 s5, $0x1  }
0xc: {  	[smem:$0x7FF] =	sst s3;
	s6 =	ssub.s32 $0x2, s4;
	s10 =	sor.u32 s4, s5  }
0xd: {  	_ =	strace $0x80000047;
	s24 =	sshrl.u32 s6, $0x1;
	s5 =	sshll.u32 s10, $0xD  }
0xe: {  	s25 =	sshll.u32 s10, $0x6;
	s26 =	sshll.u32 s10, $0x4;
	s12 =	ssub.s32 s6, s24  }
0xf: {  	s4 =	sadd.s32 s0, s5;
	s5 =	sadd.s32 s1, s25;
	s11 =	sadd.s32 s11, s26  }
0x10: {  	s24 =	simm.s32 $0x100;
	s25 =	simm.s32 $0x2;
	s26 =	simm.s32 $0x180  }
0x11: {  	s6 =	sadd.s32 $0x200, s4;
	s7 =	sadd.s32 $0x800, s4;
	s8 =	sadd.s32 $0x1000, s4  }
0x12: {  	s9 =	sadd.s32 $0x1800, s4;
	s10 =	sadd.s32 $0x1E00, s4;
	s12 =	smax.u32 s12, $0x1  }
.LBB2_1:
0x13: {  	[tilespmem:s3], [sflag:$0x4] =	stream.linear.gather [hbm4b:s5+s3], $0x200, $0x38;
	[tilespmem:$0x18280] =	vst v63  }
0x14: {  	_ =	swait.ge [sflag:s13], $0x200  }
0x15: {  	[sflag:s13] =	ssyncset.done $0x0  }
0x16: {  	[sflag:s13] =	ssyncadd.s32 $0xFFFFFE00  }
0x17: {  	[tilespmem:s14], [sflag:$0x1] =	stream.linear.gather [hbm4b:s4+s3], $0x1000, $0x38;
	[tilespmem:$0x18280] =	vst v63  }
0x18: {  	_ = 	snop  }
0x19: {  	[tilespmem:s16], [sflag:$0x1] =	stream.indirect.gather [hbm4b:s2+s15], $0x80, s3, s15, $0xb8;
	[tilespmem:$0x18280] =	vst v63  }
0x1a: {  	_ = 	snop  }
0x1b: {  	[tilespmem:s17], [sflag:$0x2] =	stream.linear.gather [hbm4b:s6+s3], $0x3000, $0x38;
	[tilespmem:$0x18280] =	vst v63  }
0x1c: {  	_ = 	snop  }
0x1d: {  	[tilespmem:s19], [sflag:$0x2] =	stream.indirect.gather [hbm4b:s2+s18], $0x80, s15, s18, $0xb8;
	[tilespmem:$0x18280] =	vst v63  }
0x1e: {  	_ = 	snop  }
0x1f: {  	[tilespmem:s20], [sflag:$0x3] =	stream.linear.gather [hbm4b:s7+s3], $0x4000, $0x38;
	[tilespmem:$0x18280] =	vst v63  }
0x20: {  	_ = 	snop  }
0x21: {  	[tilespmem:s22], [sflag:$0x3] =	stream.indirect.gather [hbm4b:s2+s21], $0x80, s21, s21, $0xb8;
	[tilespmem:$0x18280] =	vst v63  }
0x22: {  	_ =	swait.ge [sflag:s23], $0x1000  }
0x23: {  	[sflag:s23] =	ssyncset.done $0x0  }
0x24: {  	[sflag:s23] =	ssyncadd.s32 $0xFFFFF000  }
0x25: {  	_ =	swait.ge [sflag:s23], $0x1000  }
0x26: {  	[sflag:s23] =	ssyncset.done $0x0  }
0x27: {  	s1 =	simm.s32 $0x0;
	[sflag:s23] =	ssyncadd.s32 $0xFFFFF000  }
0x28: {  	v0 =	vld [tilespmem:s1+$0x270]  }
0x29: {  	v1 =	vld [tilespmem:s1+$0xC270]  }
0x2a: {  	v2 =	vld [tilespmem:s1+$0x200]  }
0x2b: {  	v3 =	vld [tilespmem:s1+$0xC200]  }
0x2c: {  	v4 =	vld [tilespmem:s1+$0x210]  }
0x2d: {  	v5 =	vld [tilespmem:s1+$0xC210]  }
0x2e: {  	v6 =	vld [tilespmem:s1+$0x220]  }
0x2f: {  	v7 =	vld [tilespmem:s1+$0xC220]  }
0x30: {  	v9 =	vld [tilespmem:s1+$0x230]  }
0x31: {  	v10 =	vld [tilespmem:s1+$0xC230];
	_ =	sdelay $0x2  }
0x32: {  	v14 =	vld [tilespmem:s1+$0x240];
	v0 =	vsub.f32 v0, v1;
	v1 =	vsub.f32 v2, v3  }
0x33: {  	v2 =	vsub.f32 v4, v5;
	v5 =	vld [tilespmem:s1+$0xC240];
	v3 =	vsub.f32 v6, v7  }
0x34: {  	v8 =	vld [tilespmem:s1+$0x250];
	v4 =	vimm.f32 $0.0e+00;
	v6 =	vsub.f32 v9, v10;
	v0 =	vmul.f32 v0, v0  }
0x35: {  	v11 =	vld [tilespmem:s1+$0xC250];
	v7 =	vimm.f32 $0.0e+00;
	v1 =	vmul.f32 v1, v1;
	v2 =	vmul.f32 v2, v2  }
0x36: {  	v12 =	vld [tilespmem:s1+$0xC260];
	v3 =	vmul.f32 v3, v3;
	v13 =	vmul.f32 v6, v6;
	v0 =	vadd.f32 v0, v4  }
0x37: {  	s0 =	simm.s32 $0x80;
	v9 =	vld [tilespmem:s1+$0x260];
	v6 =	vimm.f32 $0.0e+00;
	v1 =	vadd.f32 v1, v4;
	v2 =	vadd.f32 v2, v4  }
0x38: {  	v10 =	vld [tilespmem:s0+$0x270];
	s1 =	simm.s32 $0x400;
	v3 =	vadd.f32 v3, v4;
	v14 =	vsub.f32 v14, v5;
	v5 =	vimm.f32 $0.0e+00  }
.LBB2_2:
0x39: {  	p0 =	sne.s32 s1, $0x3E00;
	v15 =	vld [tilespmem:s0+$0xC270]  }
0x3a: {  	v16 =	vld [tilespmem:s0+$0x200];
	v4 =	vadd.f32 v13, v4;
	v13 =	vmul.f32 v14, v14;
	v8 =	vsub.f32 v8, v11  }
0x3b: {  	v11 =	vld [tilespmem:s0+$0xC200]  }
0x3c: {  	v14 =	vld [tilespmem:s0+$0x210];
	v7 =	vadd.f32 v13, v7;
	v8 =	vmul.f32 v8, v8;
	v9 =	vsub.f32 v9, v12  }
0x3d: {  	v12 =	vld [tilespmem:s0+$0xC210]  }
0x3e: {  	v13 =	vld [tilespmem:s0+$0x220];
	v10 =	vsub.f32 v10, v15;
	v6 =	vadd.f32 v8, v6;
	v8 =	vmul.f32 v9, v9  }
0x3f: {  	v9 =	vld [tilespmem:s0+$0xC220]  }
0x40: {  	v11 =	vsub.f32 v16, v11;
	v15 =	vld [tilespmem:s0+$0x230];
	v10 =	vmul.f32 v10, v10;
	v5 =	vadd.f32 v8, v5  }
0x41: {  	v16 =	vld [tilespmem:s0+$0xC230]  }
0x42: {  	v8 =	vmul.f32 v11, v11;
	v11 =	vsub.f32 v14, v12;
	v14 =	vld [tilespmem:s0+$0x240];
	v0 =	vadd.f32 v10, v0  }
0x43: {  	v17 =	vld [tilespmem:s0+$0xC240]  }
.Ltmp0:
0x44: {  	v1 =	vadd.f32 v8, v1;
	v10 =	vmul.f32 v11, v11;
	v9 =	vsub.f32 v13, v9;
	v8 =	vld [tilespmem:s0+$0x250];
	(pc) =	sbr.rel @p0 .LBB2_2-.Ltmp0, $4  }
0x45: {  	v11 =	vld [tilespmem:s0+$0xC250]  }
0x46: {  	v2 =	vadd.f32 v10, v2;
	v13 =	vmul.f32 v9, v9;
	v15 =	vsub.f32 v15, v16;
	v9 =	vld [tilespmem:s0+$0x260]  }
0x47: {  	v12 =	vld [tilespmem:s0+$0xC260];
	s0 =	sshra.s32 s1, $0x2  }
0x48: {  	s1 =	sadd.s32 $0x200, s1;
	v10 =	vld [tilespmem:s0+$0x270];
	v3 =	vadd.f32 v13, v3;
	v13 =	vmul.f32 v15, v15;
	v14 =	vsub.f32 v14, v17  }
0x49: {  	v15 =	vld [tilespmem:s0+$0xC270]  }
0x4a: {  	v16 =	vld [tilespmem:s0+$0x200]  }
0x4b: {  	v17 =	vld [tilespmem:s0+$0xC200]  }
0x4c: {  	v18 =	vld [tilespmem:s0+$0x210]  }
0x4d: {  	v19 =	vld [tilespmem:s0+$0xC210]  }
0x4e: {  	v20 =	vld [tilespmem:s0+$0x220]  }
0x4f: {  	v21 =	vld [tilespmem:s0+$0xC220]  }
0x50: {  	v22 =	vld [tilespmem:s0+$0x230]  }
0x51: {  	v23 =	vld [tilespmem:s0+$0xC230]  }
0x52: {  	v24 =	vld [tilespmem:s0+$0x240]  }
0x53: {  	v25 =	vld [tilespmem:s0+$0xC240]  }
0x54: {  	v26 =	vld [tilespmem:s0+$0x250]  }
0x55: {  	v27 =	vld [tilespmem:s0+$0xC250]  }
0x56: {  	v28 =	vld [tilespmem:s0+$0x260];
	s1 =	simm.s32 $0x0  }
0x57: {  	v29 =	vld [tilespmem:s0+$0xC260];
	[tilespmem:s14], [sflag:$0x1] =	stream.linear.gather [hbm4b:s8+s1], $0x4000, $0x38  }
0x58: {  	_ = 	snop  }
0x59: {  	[tilespmem:s16], [sflag:$0x1] =	stream.indirect.gather [hbm4b:s2+s21], $0x80, s24, s21, $0xb8;
	[tilespmem:$0x18280] =	vst v63  }
0x5a: {  	_ =	swait.ge [sflag:s25], $0x3000  }
0x5b: {  	[sflag:s25] =	ssyncset.done $0x0  }
0x5c: {  	[sflag:s25] =	ssyncadd.s32 $0xFFFFD000  }
0x5d: {  	_ =	swait.ge [sflag:s25], $0x3000  }
0x5e: {  	v8 =	vsub.f32 v8, v11;
	[sflag:s25] =	ssyncset.done $0x0  }
0x5f: {  	v11 =	vmul.f32 v14, v14;
	s1 =	simm.s32 $0x0;
	[sflag:s25] =	ssyncadd.s32 $0xFFFFD000  }
0x60: {  	v8 =	vmul.f32 v8, v8;
	v9 =	vsub.f32 v9, v12;
	v12 =	vld [tilespmem:s1+$0x4270]  }
0x61: {  	v4 =	vadd.f32 v13, v4;
	v7 =	vadd.f32 v11, v7;
	v11 =	vld [tilespmem:s1+$0x10270]  }
0x62: {  	v10 =	vsub.f32 v10, v15;
	v6 =	vadd.f32 v8, v6;
	v8 =	vmul.f32 v9, v9;
	v9 =	vld [tilespmem:s1+$0x4200]  }
0x63: {  	v13 =	vsub.f32 v16, v17;
	v14 =	vsub.f32 v18, v19;
	v15 =	vld [tilespmem:s1+$0x10200]  }
0x64: {  	v5 =	vadd.f32 v8, v5;
	v8 =	vmul.f32 v10, v10;
	v10 =	vsub.f32 v20, v21;
	v54 =	vld [tilespmem:s1+$0x4210]  }
0x65: {  	v55 =	vsub.f32 v22, v23;
	v13 =	vmul.f32 v13, v13;
	v14 =	vmul.f32 v14, v14;
	v56 =	vld [tilespmem:s1+$0x10210]  }
0x66: {  	v57 =	vadd.f32 v8, v0;
	v0 =	vmul.f32 v10, v10;
	v8 =	vsub.f32 v24, v25;
	v10 =	vld [tilespmem:s1+$0x4220]  }
0x67: {  	v13 =	vadd.f32 v13, v1;
	v14 =	vadd.f32 v14, v2;
	v1 =	vmul.f32 v55, v55;
	v2 =	vld [tilespmem:s1+$0x10220]  }
0x68: {  	v59 =	vld [tilespmem:s1+$0x4230];
	v58 =	vadd.f32 v0, v3;
	v3 =	vmul.f32 v8, v8;
	v8 =	vsub.f32 v26, v27  }
0x69: {  	v60 =	vld [tilespmem:s1+$0x10230];
	v0 =	vadd.f32 v1, v4;
	v1 =	vsub.f32 v28, v29  }
0x6a: {  	v61 =	vld [tilespmem:s1+$0x4240];
	v4 =	vadd.f32 v3, v7;
	v3 =	vmul.f32 v8, v8;
	v8 =	vsub.f32 v12, v11  }
0x6b: {  	v1 =	vmul.f32 v1, v1;
	v9 =	vsub.f32 v9, v15;
	v11 =	vsub.f32 v54, v56;
	v15 =	vld [tilespmem:s1+$0x10240]  }
0x6c: {  	v7 =	vadd.f32 v3, v6;
	v2 =	vsub.f32 v10, v2;
	v3 =	vmul.f32 v8, v8;
	v8 =	vld [tilespmem:s1+$0x4250]  }
0x6d: {  	v6 =	vadd.f32 v1, v5;
	v5 =	vmul.f32 v9, v9;
	v10 =	vmul.f32 v11, v11;
	v11 =	vld [tilespmem:s1+$0x10250]  }
0x6e: {  	v63 =	vsub.f32 v59, v60;
	v12 =	vld [tilespmem:s1+$0x10260];
	v62 =	vmul.f32 v2, v2;
	v1 =	vadd.f32 v3, v57  }
0x6f: {  	s0 =	simm.s32 $0x80;
	v9 =	vld [tilespmem:s1+$0x4260];
	v2 =	vadd.f32 v5, v13;
	v3 =	vadd.f32 v10, v14  }
0x70: {  	s1 =	simm.s32 $0x400;
	v10 =	vld [tilespmem:s0+$0x4270];
	v5 =	vadd.f32 v62, v58;
	v13 =	vmul.f32 v63, v63;
	v14 =	vsub.f32 v61, v15  }
.LBB2_4:
0x71: {  	p0 =	sne.s32 s1, $0xBE00;
	v15 =	vld [tilespmem:s0+$0x10270]  }
0x72: {  	v16 =	vld [tilespmem:s0+$0x4200];
	v0 =	vadd.f32 v13, v0;
	v13 =	vmul.f32 v14, v14;
	v8 =	vsub.f32 v8, v11  }
0x73: {  	v11 =	vld [tilespmem:s0+$0x10200]  }
0x74: {  	v14 =	vld [tilespmem:s0+$0x4210];
	v4 =	vadd.f32 v13, v4;
	v8 =	vmul.f32 v8, v8;
	v9 =	vsub.f32 v9, v12  }
0x75: {  	v12 =	vld [tilespmem:s0+$0x10210]  }
0x76: {  	v13 =	vld [tilespmem:s0+$0x4220];
	v10 =	vsub.f32 v10, v15;
	v7 =	vadd.f32 v8, v7;
	v8 =	vmul.f32 v9, v9  }
0x77: {  	v9 =	vld [tilespmem:s0+$0x10220]  }
0x78: {  	v11 =	vsub.f32 v16, v11;
	v15 =	vld [tilespmem:s0+$0x4230];
	v10 =	vmul.f32 v10, v10;
	v6 =	vadd.f32 v8, v6  }
0x79: {  	v16 =	vld [tilespmem:s0+$0x10230]  }
0x7a: {  	v8 =	vmul.f32 v11, v11;
	v11 =	vsub.f32 v14, v12;
	v14 =	vld [tilespmem:s0+$0x4240];
	v1 =	vadd.f32 v10, v1  }
0x7b: {  	v17 =	vld [tilespmem:s0+$0x10240]  }
.Ltmp1:
0x7c: {  	v2 =	vadd.f32 v8, v2;
	v10 =	vmul.f32 v11, v11;
	v9 =	vsub.f32 v13, v9;
	v8 =	vld [tilespmem:s0+$0x4250];
	(pc) =	sbr.rel @p0 .LBB2_4-.Ltmp1, $4  }
0x7d: {  	v11 =	vld [tilespmem:s0+$0x10250]  }
0x7e: {  	v3 =	vadd.f32 v10, v3;
	v13 =	vmul.f32 v9, v9;
	v15 =	vsub.f32 v15, v16;
	v9 =	vld [tilespmem:s0+$0x4260]  }
0x7f: {  	v12 =	vld [tilespmem:s0+$0x10260];
	s0 =	sshra.s32 s1, $0x2  }
0x80: {  	s1 =	sadd.s32 $0x200, s1;
	v10 =	vld [tilespmem:s0+$0x4270];
	v5 =	vadd.f32 v13, v5;
	v13 =	vmul.f32 v15, v15;
	v14 =	vsub.f32 v14, v17  }
0x81: {  	v15 =	vld [tilespmem:s0+$0x10270]  }
0x82: {  	v16 =	vld [tilespmem:s0+$0x4200]  }
0x83: {  	v17 =	vld [tilespmem:s0+$0x10200]  }
0x84: {  	v18 =	vld [tilespmem:s0+$0x4210]  }
0x85: {  	v19 =	vld [tilespmem:s0+$0x10210]  }
0x86: {  	v20 =	vld [tilespmem:s0+$0x4220]  }
0x87: {  	v21 =	vld [tilespmem:s0+$0x10220]  }
0x88: {  	v22 =	vld [tilespmem:s0+$0x4230]  }
0x89: {  	v23 =	vld [tilespmem:s0+$0x10230]  }
0x8a: {  	v24 =	vld [tilespmem:s0+$0x4240]  }
0x8b: {  	v25 =	vld [tilespmem:s0+$0x10240]  }
0x8c: {  	v26 =	vld [tilespmem:s0+$0x4250]  }
0x8d: {  	v27 =	vld [tilespmem:s0+$0x10250]  }
0x8e: {  	v28 =	vld [tilespmem:s0+$0x4260];
	s1 =	simm.s32 $0x0  }
0x8f: {  	v29 =	vld [tilespmem:s0+$0x10260];
	[tilespmem:s17], [sflag:$0x2] =	stream.linear.gather [hbm4b:s9+s1], $0x3000, $0x38  }
0x90: {  	_ = 	snop  }
0x91: {  	[tilespmem:s19], [sflag:$0x2] =	stream.indirect.gather [hbm4b:s2+s18], $0x80, s26, s18, $0xb8;
	[tilespmem:$0x18280] =	vst v63  }
0x92: {  	_ =	swait.ge [sflag:s28], $0x4000  }
0x93: {  	[sflag:s28] =	ssyncset.done $0x0  }
0x94: {  	[sflag:s28] =	ssyncadd.s32 $0xFFFFC000  }
0x95: {  	_ =	swait.ge [sflag:s28], $0x4000  }
0x96: {  	v8 =	vsub.f32 v8, v11;
	[sflag:s28] =	ssyncset.done $0x0  }
0x97: {  	v11 =	vmul.f32 v14, v14;
	s1 =	simm.s32 $0x0;
	[sflag:s28] =	ssyncadd.s32 $0xFFFFC000  }
0x98: {  	v8 =	vmul.f32 v8, v8;
	v9 =	vsub.f32 v9, v12;
	v12 =	vld [tilespmem:s1+$0x8270]  }
0x99: {  	v0 =	vadd.f32 v13, v0;
	v4 =	vadd.f32 v11, v4;
	v11 =	vld [tilespmem:s1+$0x14270]  }
0x9a: {  	v10 =	vsub.f32 v10, v15;
	v7 =	vadd.f32 v8, v7;
	v8 =	vmul.f32 v9, v9;
	v9 =	vld [tilespmem:s1+$0x8200]  }
0x9b: {  	v13 =	vsub.f32 v16, v17;
	v14 =	vsub.f32 v18, v19;
	v15 =	vld [tilespmem:s1+$0x14200]  }
0x9c: {  	v6 =	vadd.f32 v8, v6;
	v8 =	vmul.f32 v10, v10;
	v10 =	vsub.f32 v20, v21;
	v56 =	vld [tilespmem:s1+$0x8210]  }
0x9d: {  	v57 =	vsub.f32 v22, v23;
	v13 =	vmul.f32 v13, v13;
	v14 =	vmul.f32 v14, v14;
	v58 =	vld [tilespmem:s1+$0x14210]  }
0x9e: {  	v1 =	vadd.f32 v8, v1;
	v8 =	vmul.f32 v10, v10;
	v10 =	vsub.f32 v24, v25;
	v59 =	vld [tilespmem:s1+$0x8220]  }
0x9f: {  	v2 =	vadd.f32 v13, v2;
	v3 =	vadd.f32 v14, v3;
	v13 =	vmul.f32 v57, v57;
	v14 =	vld [tilespmem:s1+$0x14220]  }
0xa0: {  	v60 =	vld [tilespmem:s1+$0x8230];
	v5 =	vadd.f32 v8, v5;
	v8 =	vmul.f32 v10, v10;
	v10 =	vsub.f32 v26, v27  }
0xa1: {  	v61 =	vld [tilespmem:s1+$0x14230];
	v0 =	vadd.f32 v13, v0;
	v13 =	vsub.f32 v28, v29  }
0xa2: {  	v62 =	vld [tilespmem:s1+$0x8240];
	v4 =	vadd.f32 v8, v4;
	v8 =	vmul.f32 v10, v10;
	v10 =	vsub.f32 v12, v11  }
0xa3: {  	v9 =	vsub.f32 v9, v15;
	v11 =	vmul.f32 v13, v13;
	v12 =	vsub.f32 v56, v58;
	v15 =	vld [tilespmem:s1+$0x14240]  }
0xa4: {  	v7 =	vadd.f32 v8, v7;
	v13 =	vsub.f32 v59, v14;
	v8 =	vld [tilespmem:s1+$0x8250];
	v10 =	vmul.f32 v10, v10  }
0xa5: {  	v6 =	vadd.f32 v11, v6;
	v14 =	vmul.f32 v9, v9;
	v12 =	vmul.f32 v12, v12;
	v11 =	vld [tilespmem:s1+$0x14250]  }
0xa6: {  	v63 =	vsub.f32 v60, v61;
	v13 =	vmul.f32 v13, v13;
	v9 =	vld [tilespmem:s1+$0x8260];
	v1 =	vadd.f32 v10, v1  }
0xa7: {  	s0 =	simm.s32 $0x80;
	v2 =	vadd.f32 v14, v2;
	v3 =	vadd.f32 v12, v3;
	v12 =	vld [tilespmem:s1+$0x14260]  }
0xa8: {  	v10 =	vld [tilespmem:s0+$0x8270];
	s1 =	simm.s32 $0x400;
	v5 =	vadd.f32 v13, v5;
	v13 =	vmul.f32 v63, v63;
	v14 =	vsub.f32 v62, v15  }
.LBB2_6:
0xa9: {  	p0 =	sne.s32 s1, $0xFE00;
	v15 =	vld [tilespmem:s0+$0x14270]  }
0xaa: {  	v16 =	vld [tilespmem:s0+$0x8200];
	v0 =	vadd.f32 v13, v0;
	v13 =	vmul.f32 v14, v14;
	v8 =	vsub.f32 v8, v11  }
0xab: {  	v11 =	vld [tilespmem:s0+$0x14200]  }
0xac: {  	v14 =	vld [tilespmem:s0+$0x8210];
	v4 =	vadd.f32 v13, v4;
	v8 =	vmul.f32 v8, v8;
	v9 =	vsub.f32 v9, v12  }
0xad: {  	v12 =	vld [tilespmem:s0+$0x14210]  }
0xae: {  	v13 =	vld [tilespmem:s0+$0x8220];
	v10 =	vsub.f32 v10, v15;
	v7 =	vadd.f32 v8, v7;
	v8 =	vmul.f32 v9, v9  }
0xaf: {  	v9 =	vld [tilespmem:s0+$0x14220]  }
0xb0: {  	v11 =	vsub.f32 v16, v11;
	v15 =	vld [tilespmem:s0+$0x8230];
	v10 =	vmul.f32 v10, v10;
	v6 =	vadd.f32 v8, v6  }
0xb1: {  	v16 =	vld [tilespmem:s0+$0x14230]  }
0xb2: {  	v8 =	vmul.f32 v11, v11;
	v11 =	vsub.f32 v14, v12;
	v14 =	vld [tilespmem:s0+$0x8240];
	v1 =	vadd.f32 v10, v1  }
0xb3: {  	v17 =	vld [tilespmem:s0+$0x14240]  }
.Ltmp2:
0xb4: {  	v2 =	vadd.f32 v8, v2;
	v10 =	vmul.f32 v11, v11;
	v9 =	vsub.f32 v13, v9;
	v8 =	vld [tilespmem:s0+$0x8250];
	(pc) =	sbr.rel @p0 .LBB2_6-.Ltmp2, $4  }
0xb5: {  	v11 =	vld [tilespmem:s0+$0x14250]  }
0xb6: {  	v3 =	vadd.f32 v10, v3;
	v13 =	vmul.f32 v9, v9;
	v15 =	vsub.f32 v15, v16;
	v9 =	vld [tilespmem:s0+$0x8260]  }
0xb7: {  	v12 =	vld [tilespmem:s0+$0x14260];
	s0 =	sshra.s32 s1, $0x2  }
0xb8: {  	s1 =	sadd.s32 $0x200, s1;
	v10 =	vld [tilespmem:s0+$0x8270];
	v5 =	vadd.f32 v13, v5;
	v13 =	vmul.f32 v15, v15;
	v14 =	vsub.f32 v14, v17  }
0xb9: {  	v15 =	vld [tilespmem:s0+$0x14270]  }
0xba: {  	v16 =	vld [tilespmem:s0+$0x8200]  }
0xbb: {  	v17 =	vld [tilespmem:s0+$0x14200]  }
0xbc: {  	v18 =	vld [tilespmem:s0+$0x8210]  }
0xbd: {  	v19 =	vld [tilespmem:s0+$0x14210]  }
0xbe: {  	v20 =	vld [tilespmem:s0+$0x8220]  }
0xbf: {  	v21 =	vld [tilespmem:s0+$0x14220]  }
0xc0: {  	v22 =	vld [tilespmem:s0+$0x8230]  }
0xc1: {  	v23 =	vld [tilespmem:s0+$0x14230]  }
0xc2: {  	v24 =	vld [tilespmem:s0+$0x8240]  }
0xc3: {  	v25 =	vld [tilespmem:s0+$0x14240]  }
0xc4: {  	v26 =	vld [tilespmem:s0+$0x8250]  }
0xc5: {  	v27 =	vld [tilespmem:s0+$0x14250]  }
0xc6: {  	v28 =	vld [tilespmem:s0+$0x8260];
	s1 =	simm.s32 $0x0  }
0xc7: {  	v29 =	vld [tilespmem:s0+$0x14260];
	[tilespmem:s20], [sflag:$0x3] =	stream.linear.gather [hbm4b:s10+s1], $0x1000, $0x38  }
0xc8: {  	_ = 	snop  }
0xc9: {  	[tilespmem:s22], [sflag:$0x3] =	stream.indirect.gather [hbm4b:s2+s15], $0x80, s29, s15, $0xb8;
	[tilespmem:$0x18280] =	vst v63  }
0xca: {  	_ =	swait.ge [sflag:s23], $0x4000  }
0xcb: {  	[sflag:s23] =	ssyncset.done $0x0  }
0xcc: {  	[sflag:s23] =	ssyncadd.s32 $0xFFFFC000  }
0xcd: {  	_ =	swait.ge [sflag:s23], $0x4000  }
0xce: {  	v8 =	vsub.f32 v8, v11;
	[sflag:s23] =	ssyncset.done $0x0  }
0xcf: {  	v11 =	vmul.f32 v14, v14;
	s1 =	simm.s32 $0x0;
	[sflag:s23] =	ssyncadd.s32 $0xFFFFC000  }
0xd0: {  	v8 =	vmul.f32 v8, v8;
	v9 =	vsub.f32 v9, v12;
	v12 =	vld [tilespmem:s1+$0x270]  }
0xd1: {  	v0 =	vadd.f32 v13, v0;
	v4 =	vadd.f32 v11, v4;
	v11 =	vld [tilespmem:s1+$0xC270]  }
0xd2: {  	v10 =	vsub.f32 v10, v15;
	v7 =	vadd.f32 v8, v7;
	v8 =	vmul.f32 v9, v9;
	v9 =	vld [tilespmem:s1+$0x200]  }
0xd3: {  	v13 =	vsub.f32 v16, v17;
	v14 =	vsub.f32 v18, v19;
	v15 =	vld [tilespmem:s1+$0xC200]  }
0xd4: {  	v6 =	vadd.f32 v8, v6;
	v8 =	vmul.f32 v10, v10;
	v10 =	vsub.f32 v20, v21;
	v56 =	vld [tilespmem:s1+$0x210]  }
0xd5: {  	v57 =	vsub.f32 v22, v23;
	v13 =	vmul.f32 v13, v13;
	v14 =	vmul.f32 v14, v14;
	v58 =	vld [tilespmem:s1+$0xC210]  }
0xd6: {  	v1 =	vadd.f32 v8, v1;
	v8 =	vmul.f32 v10, v10;
	v10 =	vsub.f32 v24, v25;
	v59 =	vld [tilespmem:s1+$0x220]  }
0xd7: {  	v2 =	vadd.f32 v13, v2;
	v3 =	vadd.f32 v14, v3;
	v13 =	vmul.f32 v57, v57;
	v14 =	vld [tilespmem:s1+$0xC220]  }
0xd8: {  	v60 =	vld [tilespmem:s1+$0x230];
	v5 =	vadd.f32 v8, v5;
	v8 =	vmul.f32 v10, v10;
	v10 =	vsub.f32 v26, v27  }
0xd9: {  	v61 =	vld [tilespmem:s1+$0xC230];
	v0 =	vadd.f32 v13, v0;
	v13 =	vsub.f32 v28, v29  }
0xda: {  	v62 =	vld [tilespmem:s1+$0x240];
	v4 =	vadd.f32 v8, v4;
	v8 =	vmul.f32 v10, v10;
	v10 =	vsub.f32 v12, v11  }
0xdb: {  	v9 =	vsub.f32 v9, v15;
	v11 =	vmul.f32 v13, v13;
	v12 =	vsub.f32 v56, v58;
	v15 =	vld [tilespmem:s1+$0xC240]  }
0xdc: {  	v7 =	vadd.f32 v8, v7;
	v13 =	vsub.f32 v59, v14;
	v8 =	vld [tilespmem:s1+$0x250];
	v10 =	vmul.f32 v10, v10  }
0xdd: {  	v6 =	vadd.f32 v11, v6;
	v14 =	vmul.f32 v9, v9;
	v12 =	vmul.f32 v12, v12;
	v11 =	vld [tilespmem:s1+$0xC250]  }
0xde: {  	v63 =	vsub.f32 v60, v61;
	v13 =	vmul.f32 v13, v13;
	v9 =	vld [tilespmem:s1+$0x260];
	v1 =	vadd.f32 v10, v1  }
0xdf: {  	s0 =	simm.s32 $0x80;
	v2 =	vadd.f32 v14, v2;
	v3 =	vadd.f32 v12, v3;
	v12 =	vld [tilespmem:s1+$0xC260]  }
0xe0: {  	v10 =	vld [tilespmem:s0+$0x270];
	s1 =	simm.s32 $0x400;
	v5 =	vadd.f32 v13, v5;
	v13 =	vmul.f32 v63, v63;
	v14 =	vsub.f32 v62, v15  }
.LBB2_8:
0xe1: {  	p0 =	sne.s32 s1, $0xFE00;
	v15 =	vld [tilespmem:s0+$0xC270]  }
0xe2: {  	v16 =	vld [tilespmem:s0+$0x200];
	v0 =	vadd.f32 v13, v0;
	v13 =	vmul.f32 v14, v14;
	v8 =	vsub.f32 v8, v11  }
0xe3: {  	v11 =	vld [tilespmem:s0+$0xC200]  }
0xe4: {  	v14 =	vld [tilespmem:s0+$0x210];
	v4 =	vadd.f32 v13, v4;
	v8 =	vmul.f32 v8, v8;
	v9 =	vsub.f32 v9, v12  }
0xe5: {  	v12 =	vld [tilespmem:s0+$0xC210]  }
0xe6: {  	v13 =	vld [tilespmem:s0+$0x220];
	v10 =	vsub.f32 v10, v15;
	v7 =	vadd.f32 v8, v7;
	v8 =	vmul.f32 v9, v9  }
0xe7: {  	v9 =	vld [tilespmem:s0+$0xC220]  }
0xe8: {  	v11 =	vsub.f32 v16, v11;
	v15 =	vld [tilespmem:s0+$0x230];
	v10 =	vmul.f32 v10, v10;
	v6 =	vadd.f32 v8, v6  }
0xe9: {  	v16 =	vld [tilespmem:s0+$0xC230]  }
0xea: {  	v8 =	vmul.f32 v11, v11;
	v11 =	vsub.f32 v14, v12;
	v14 =	vld [tilespmem:s0+$0x240];
	v1 =	vadd.f32 v10, v1  }
0xeb: {  	v17 =	vld [tilespmem:s0+$0xC240]  }
.Ltmp3:
0xec: {  	v2 =	vadd.f32 v8, v2;
	v10 =	vmul.f32 v11, v11;
	v9 =	vsub.f32 v13, v9;
	v8 =	vld [tilespmem:s0+$0x250];
	(pc) =	sbr.rel @p0 .LBB2_8-.Ltmp3, $4  }
0xed: {  	v11 =	vld [tilespmem:s0+$0xC250]  }
0xee: {  	v3 =	vadd.f32 v10, v3;
	v13 =	vmul.f32 v9, v9;
	v15 =	vsub.f32 v15, v16;
	v9 =	vld [tilespmem:s0+$0x260]  }
0xef: {  	v12 =	vld [tilespmem:s0+$0xC260];
	s0 =	sshra.s32 s1, $0x2  }
0xf0: {  	s1 =	sadd.s32 $0x200, s1;
	v10 =	vld [tilespmem:s0+$0x270];
	v5 =	vadd.f32 v13, v5;
	v13 =	vmul.f32 v15, v15;
	v14 =	vsub.f32 v14, v17  }
0xf1: {  	v15 =	vld [tilespmem:s0+$0xC270]  }
0xf2: {  	v16 =	vld [tilespmem:s0+$0x200]  }
0xf3: {  	v17 =	vld [tilespmem:s0+$0xC200]  }
0xf4: {  	v18 =	vld [tilespmem:s0+$0x210]  }
0xf5: {  	v19 =	vld [tilespmem:s0+$0xC210]  }
0xf6: {  	v20 =	vld [tilespmem:s0+$0x220]  }
0xf7: {  	v21 =	vld [tilespmem:s0+$0xC220]  }
0xf8: {  	v22 =	vld [tilespmem:s0+$0x230]  }
0xf9: {  	v23 =	vld [tilespmem:s0+$0xC230]  }
0xfa: {  	v24 =	vld [tilespmem:s0+$0x240]  }
0xfb: {  	v25 =	vld [tilespmem:s0+$0xC240]  }
0xfc: {  	v26 =	vld [tilespmem:s0+$0x250]  }
0xfd: {  	v27 =	vld [tilespmem:s0+$0xC250]  }
0xfe: {  	v28 =	vld [tilespmem:s0+$0x260]  }
0xff: {  	v29 =	vld [tilespmem:s0+$0xC260];
	_ =	swait.ge [sflag:s25], $0x3000  }
0x100: {  	[sflag:s25] =	ssyncset.done $0x0  }
0x101: {  	[sflag:s25] =	ssyncadd.s32 $0xFFFFD000  }
0x102: {  	_ =	swait.ge [sflag:s25], $0x3000  }
0x103: {  	v8 =	vsub.f32 v8, v11;
	[sflag:s25] =	ssyncset.done $0x0  }
0x104: {  	s1 =	simm.s32 $0x0;
	v11 =	vmul.f32 v14, v14;
	[sflag:s25] =	ssyncadd.s32 $0xFFFFD000  }
0x105: {  	v8 =	vmul.f32 v8, v8;
	v9 =	vsub.f32 v9, v12;
	v12 =	vld [tilespmem:s1+$0x4270]  }
0x106: {  	v4 =	vadd.f32 v11, v4;
	v11 =	vld [tilespmem:s1+$0x10270]  }
0x107: {  	v7 =	vadd.f32 v8, v7;
	v8 =	vmul.f32 v9, v9;
	v9 =	vld [tilespmem:s1+$0x4200]  }
0x108: {  	v0 =	vadd.f32 v13, v0;
	v10 =	vsub.f32 v10, v15;
	v15 =	vld [tilespmem:s1+$0x10200]  }
0x109: {  	v13 =	vsub.f32 v16, v17;
	v14 =	vsub.f32 v18, v19;
	v56 =	vld [tilespmem:s1+$0x4210]  }
0x10a: {  	v58 =	vld [tilespmem:s1+$0x10210];
	v6 =	vadd.f32 v8, v6;
	v8 =	vmul.f32 v10, v10;
	v10 =	vsub.f32 v20, v21  }
0x10b: {  	v57 =	vsub.f32 v22, v23;
	v59 =	vld [tilespmem:s1+$0x4220];
	v13 =	vmul.f32 v13, v13;
	v14 =	vmul.f32 v14, v14  }
0x10c: {  	v60 =	vld [tilespmem:s1+$0x4230];
	v1 =	vadd.f32 v8, v1;
	v8 =	vmul.f32 v10, v10;
	v10 =	vsub.f32 v24, v25  }
0x10d: {  	v2 =	vadd.f32 v13, v2;
	v3 =	vadd.f32 v14, v3;
	v13 =	vmul.f32 v57, v57;
	v14 =	vld [tilespmem:s1+$0x10220]  }
0x10e: {  	v61 =	vld [tilespmem:s1+$0x10230];
	v5 =	vadd.f32 v8, v5;
	v8 =	vmul.f32 v10, v10;
	v10 =	vsub.f32 v26, v27  }
0x10f: {  	v62 =	vld [tilespmem:s1+$0x4240];
	v0 =	vadd.f32 v13, v0;
	v13 =	vsub.f32 v28, v29  }
0x110: {  	v9 =	vsub.f32 v9, v15;
	v15 =	vld [tilespmem:s1+$0x10240];
	v4 =	vadd.f32 v8, v4;
	v8 =	vmul.f32 v10, v10  }
0x111: {  	v10 =	vsub.f32 v12, v11;
	v11 =	vmul.f32 v13, v13;
	v12 =	vsub.f32 v56, v58  }
0x112: {  	v13 =	vsub.f32 v59, v14;
	v14 =	vmul.f32 v9, v9;
	v7 =	vadd.f32 v8, v7;
	v8 =	vld [tilespmem:s1+$0x4250]  }
0x113: {  	v63 =	vsub.f32 v60, v61;
	v6 =	vadd.f32 v11, v6;
	v12 =	vmul.f32 v12, v12;
	v11 =	vld [tilespmem:s1+$0x10250]  }
0x114: {  	v9 =	vld [tilespmem:s1+$0x4260];
	v10 =	vmul.f32 v10, v10;
	v13 =	vmul.f32 v13, v13;
	v2 =	vadd.f32 v14, v2  }
0x115: {  	s0 =	simm.s32 $0x80;
	v14 =	vsub.f32 v62, v15;
	v3 =	vadd.f32 v12, v3;
	v12 =	vld [tilespmem:s1+$0x10260]  }
0x116: {  	v1 =	vadd.f32 v10, v1;
	v10 =	vld [tilespmem:s0+$0x4270];
	s1 =	simm.s32 $0x400;
	v5 =	vadd.f32 v13, v5;
	v13 =	vmul.f32 v63, v63  }
.LBB2_10:
0x117: {  	p0 =	sne.s32 s1, $0xBE00;
	v15 =	vld [tilespmem:s0+$0x10270]  }
0x118: {  	v16 =	vld [tilespmem:s0+$0x4200];
	v0 =	vadd.f32 v13, v0;
	v13 =	vmul.f32 v14, v14;
	v8 =	vsub.f32 v8, v11  }
0x119: {  	v11 =	vld [tilespmem:s0+$0x10200]  }
0x11a: {  	v14 =	vld [tilespmem:s0+$0x4210];
	v4 =	vadd.f32 v13, v4;
	v8 =	vmul.f32 v8, v8;
	v9 =	vsub.f32 v9, v12  }
0x11b: {  	v12 =	vld [tilespmem:s0+$0x10210]  }
0x11c: {  	v13 =	vld [tilespmem:s0+$0x4220];
	v10 =	vsub.f32 v10, v15;
	v7 =	vadd.f32 v8, v7;
	v8 =	vmul.f32 v9, v9  }
0x11d: {  	v9 =	vld [tilespmem:s0+$0x10220]  }
0x11e: {  	v11 =	vsub.f32 v16, v11;
	v15 =	vld [tilespmem:s0+$0x4230];
	v10 =	vmul.f32 v10, v10;
	v6 =	vadd.f32 v8, v6  }
0x11f: {  	v16 =	vld [tilespmem:s0+$0x10230]  }
0x120: {  	v8 =	vmul.f32 v11, v11;
	v11 =	vsub.f32 v14, v12;
	v14 =	vld [tilespmem:s0+$0x4240];
	v1 =	vadd.f32 v10, v1  }
0x121: {  	v17 =	vld [tilespmem:s0+$0x10240]  }
.Ltmp4:
0x122: {  	v2 =	vadd.f32 v8, v2;
	v10 =	vmul.f32 v11, v11;
	v9 =	vsub.f32 v13, v9;
	v8 =	vld [tilespmem:s0+$0x4250];
	(pc) =	sbr.rel @p0 .LBB2_10-.Ltmp4, $4  }
0x123: {  	v11 =	vld [tilespmem:s0+$0x10250]  }
0x124: {  	v3 =	vadd.f32 v10, v3;
	v13 =	vmul.f32 v9, v9;
	v15 =	vsub.f32 v15, v16;
	v9 =	vld [tilespmem:s0+$0x4260]  }
0x125: {  	v12 =	vld [tilespmem:s0+$0x10260];
	s0 =	sshra.s32 s1, $0x2  }
0x126: {  	s1 =	sadd.s32 $0x200, s1;
	v10 =	vld [tilespmem:s0+$0x4270];
	v5 =	vadd.f32 v13, v5;
	v13 =	vmul.f32 v15, v15;
	v14 =	vsub.f32 v14, v17  }
0x127: {  	v15 =	vld [tilespmem:s0+$0x10270]  }
0x128: {  	v16 =	vld [tilespmem:s0+$0x4200]  }
0x129: {  	v17 =	vld [tilespmem:s0+$0x10200]  }
0x12a: {  	v18 =	vld [tilespmem:s0+$0x4210]  }
0x12b: {  	v19 =	vld [tilespmem:s0+$0x10210]  }
0x12c: {  	v20 =	vld [tilespmem:s0+$0x4220]  }
0x12d: {  	v21 =	vld [tilespmem:s0+$0x10220]  }
0x12e: {  	v22 =	vld [tilespmem:s0+$0x4230]  }
0x12f: {  	v23 =	vld [tilespmem:s0+$0x10230]  }
0x130: {  	v24 =	vld [tilespmem:s0+$0x4240]  }
0x131: {  	v25 =	vld [tilespmem:s0+$0x10240]  }
0x132: {  	v26 =	vld [tilespmem:s0+$0x4250]  }
0x133: {  	v27 =	vld [tilespmem:s0+$0x10250]  }
0x134: {  	v28 =	vld [tilespmem:s0+$0x4260]  }
0x135: {  	v29 =	vld [tilespmem:s0+$0x10260];
	_ =	swait.ge [sflag:s28], $0x1000  }
0x136: {  	[sflag:s28] =	ssyncset.done $0x0  }
0x137: {  	[sflag:s28] =	ssyncadd.s32 $0xFFFFF000  }
0x138: {  	v8 =	vsub.f32 v8, v11;
	_ =	swait.ge [sflag:s28], $0x1000  }
0x139: {  	v11 =	vmul.f32 v14, v14;
	[sflag:s28] =	ssyncset.done $0x0  }
0x13a: {  	s1 =	simm.s32 $0x0;
	v8 =	vmul.f32 v8, v8;
	v9 =	vsub.f32 v9, v12;
	[sflag:s28] =	ssyncadd.s32 $0xFFFFF000  }
0x13b: {  	v0 =	vadd.f32 v13, v0;
	v11 =	vadd.f32 v11, v4;
	v12 =	vld [tilespmem:s1+$0x8270]  }
0x13c: {  	v4 =	vsub.f32 v10, v15;
	v7 =	vadd.f32 v8, v7;
	v8 =	vmul.f32 v9, v9;
	v13 =	vld [tilespmem:s1+$0x14270]  }
0x13d: {  	v10 =	vsub.f32 v16, v17;
	v14 =	vsub.f32 v18, v19;
	v9 =	vld [tilespmem:s1+$0x8200]  }
0x13e: {  	v15 =	vld [tilespmem:s1+$0x14200];
	v6 =	vadd.f32 v8, v6;
	v4 =	vmul.f32 v4, v4;
	v8 =	vsub.f32 v20, v21  }
0x13f: {  	v55 =	vsub.f32 v22, v23;
	v54 =	vld [tilespmem:s1+$0x8210];
	v10 =	vmul.f32 v10, v10  }
0x140: {  	v56 =	vld [tilespmem:s1+$0x14210];
	v14 =	vmul.f32 v14, v14;
	v57 =	vadd.f32 v4, v1;
	v1 =	vmul.f32 v8, v8  }
0x141: {  	v4 =	vsub.f32 v24, v25;
	v8 =	vld [tilespmem:s1+$0x8220];
	v58 =	vadd.f32 v10, v2;
	v2 =	vmul.f32 v55, v55  }
0x142: {  	v59 =	vsub.f32 v26, v27;
	v14 =	vadd.f32 v14, v3;
	v10 =	vld [tilespmem:s1+$0x14220]  }
0x143: {  	v60 =	vld [tilespmem:s1+$0x8230];
	v5 =	vadd.f32 v1, v5;
	v1 =	vmul.f32 v4, v4;
	v4 =	vadd.f32 v2, v0  }
0x144: {  	v61 =	vld [tilespmem:s1+$0x14230];
	v0 =	vsub.f32 v28, v29;
	v9 =	vsub.f32 v9, v15  }
0x145: {  	v15 =	vld [tilespmem:s1+$0x14240];
	v3 =	vadd.f32 v1, v11;
	v1 =	vmul.f32 v59, v59;
	v11 =	vsub.f32 v12, v13  }
0x146: {  	v13 =	vld [tilespmem:s1+$0x8240];
	v0 =	vmul.f32 v0, v0;
	v12 =	vsub.f32 v54, v56  }
0x147: {  	v8 =	vsub.f32 v8, v10;
	v10 =	vld [tilespmem:s1+$0x8250];
	v2 =	vadd.f32 v1, v7;
	v7 =	vmul.f32 v11, v11  }
0x148: {  	v1 =	vadd.f32 v0, v6;
	v6 =	vmul.f32 v9, v9;
	v11 =	vmul.f32 v12, v12;
	v12 =	vld [tilespmem:s1+$0x14250]  }
0x149: {  	v63 =	vsub.f32 v60, v61;
	v9 =	vld [tilespmem:s1+$0x8260];
	v62 =	vmul.f32 v8, v8;
	v0 =	vadd.f32 v7, v57  }
0x14a: {  	s0 =	simm.s32 $0x80;
	v6 =	vadd.f32 v6, v58;
	v7 =	vadd.f32 v11, v14;
	v11 =	vld [tilespmem:s1+$0x14260]  }
0x14b: {  	v8 =	vld [tilespmem:s0+$0x8270];
	s1 =	simm.s32 $0x400;
	v14 =	vmul.f32 v63, v63;
	v5 =	vadd.f32 v62, v5;
	v13 =	vsub.f32 v13, v15  }
.LBB2_12:
0x14c: {  	p0 =	sne.s32 s1, $0x3E00;
	v15 =	vld [tilespmem:s0+$0x14270]  }
0x14d: {  	v16 =	vld [tilespmem:s0+$0x8200];
	v4 =	vadd.f32 v14, v4;
	v13 =	vmul.f32 v13, v13;
	v10 =	vsub.f32 v10, v12  }
0x14e: {  	v12 =	vld [tilespmem:s0+$0x14200]  }
0x14f: {  	v14 =	vld [tilespmem:s0+$0x8210];
	v3 =	vadd.f32 v13, v3;
	v10 =	vmul.f32 v10, v10;
	v9 =	vsub.f32 v9, v11  }
0x150: {  	v11 =	vld [tilespmem:s0+$0x14210]  }
0x151: {  	v13 =	vld [tilespmem:s0+$0x8220];
	v8 =	vsub.f32 v8, v15;
	v2 =	vadd.f32 v10, v2;
	v9 =	vmul.f32 v9, v9  }
0x152: {  	v10 =	vld [tilespmem:s0+$0x14220]  }
0x153: {  	v12 =	vsub.f32 v16, v12;
	v15 =	vld [tilespmem:s0+$0x8230];
	v8 =	vmul.f32 v8, v8;
	v1 =	vadd.f32 v9, v1  }
0x154: {  	v9 =	vld [tilespmem:s0+$0x14230]  }
0x155: {  	v12 =	vmul.f32 v12, v12;
	v11 =	vsub.f32 v14, v11;
	v16 =	vld [tilespmem:s0+$0x8240];
	v0 =	vadd.f32 v8, v0  }
0x156: {  	v17 =	vld [tilespmem:s0+$0x14240]  }
.Ltmp5:
0x157: {  	v6 =	vadd.f32 v12, v6;
	v8 =	vmul.f32 v11, v11;
	v11 =	vsub.f32 v13, v10;
	v10 =	vld [tilespmem:s0+$0x8250];
	(pc) =	sbr.rel @p0 .LBB2_12-.Ltmp5, $4  }
0x158: {  	v12 =	vld [tilespmem:s0+$0x14250]  }
0x159: {  	v7 =	vadd.f32 v8, v7;
	v13 =	vmul.f32 v11, v11;
	v14 =	vsub.f32 v15, v9;
	v9 =	vld [tilespmem:s0+$0x8260]  }
0x15a: {  	v11 =	vld [tilespmem:s0+$0x14260];
	s0 =	sshra.s32 s1, $0x2  }
0x15b: {  	s1 =	sadd.s32 $0x200, s1;
	v8 =	vld [tilespmem:s0+$0x8270];
	v5 =	vadd.f32 v13, v5;
	v14 =	vmul.f32 v14, v14;
	v13 =	vsub.f32 v16, v17  }
0x15c: {  	v15 =	vld [tilespmem:s0+$0x8200]  }
0x15d: {  	v16 =	vld [tilespmem:s0+$0x14200]  }
0x15e: {  	v17 =	vld [tilespmem:s0+$0x8210]  }
0x15f: {  	v18 =	vld [tilespmem:s0+$0x14210]  }
0x160: {  	v19 =	vld [tilespmem:s0+$0x8220]  }
0x161: {  	v20 =	vld [tilespmem:s0+$0x14220]  }
0x162: {  	v21 =	vld [tilespmem:s0+$0x8230]  }
0x163: {  	v22 =	vld [tilespmem:s0+$0x14230]  }
0x164: {  	v23 =	vld [tilespmem:s0+$0x8240]  }
0x165: {  	v44 =	vld [tilespmem:s0+$0x14240];
	v15 =	vsub.f32 v15, v16;
	v43 =	vsub.f32 v17, v18  }
0x166: {  	v49 =	vld [tilespmem:s0+$0x8250];
	v4 =	vadd.f32 v14, v4  }
0x167: {  	v51 =	vld [tilespmem:s0+$0x14250];
	v48 =	vsub.f32 v19, v20;
	v46 =	vmul.f32 v15, v15;
	v47 =	vmul.f32 v43, v43  }
0x168: {  	v53 =	vld [tilespmem:s0+$0x8260];
	v10 =	vsub.f32 v10, v12;
	v45 =	vmul.f32 v13, v13;
	v50 =	vsub.f32 v21, v22  }
0x169: {  	v55 =	vld [tilespmem:s0+$0x14260];
	v52 =	vmul.f32 v48, v48;
	v6 =	vadd.f32 v46, v6;
	v7 =	vadd.f32 v47, v7  }
0x16a: {  	v3 =	vadd.f32 v45, v3;
	v54 =	vsub.f32 v23, v44  }
0x16b: {  	v56 =	vld [tilespmem:s0+$0x14270];
	v12 =	vmul.f32 v50, v50;
	v5 =	vadd.f32 v52, v5;
	v6 =	vadd.f32 v7, v6  }
0x16c: {  	v9 =	vsub.f32 v9, v11;
	v10 =	vmul.f32 v10, v10;
	v57 =	vsub.f32 v49, v51  }
0x16d: {  	v11 =	vmul.f32 v54, v54;
	v4 =	vadd.f32 v12, v4;
	v5 =	vadd.f32 v5, v6  }
0x16e: {  	v2 =	vadd.f32 v10, v2;
	v58 =	vmul.f32 v9, v9;
	v60 =	vsub.f32 v53, v55  }
0x16f: {  	v59 =	vmul.f32 v57, v57;
	v3 =	vadd.f32 v11, v3;
	v4 =	vadd.f32 v4, v5  }
0x170: {  	v61 =	vsub.f32 v8, v56;
	v1 =	vadd.f32 v58, v1  }
0x171: {  	v62 =	vmul.f32 v60, v60;
	v2 =	vadd.f32 v59, v2;
	v3 =	vadd.f32 v3, v4;
	_ =	sdelay $0x1  }
0x172: {  	v63 =	vmul.f32 v61, v61;
	v1 =	vadd.f32 v62, v1;
	v2 =	vadd.f32 v2, v3;
	_ =	sdelay $0x1  }
0x173: {  	v0 =	vadd.f32 v63, v0;
	v1 =	vadd.f32 v1, v2;
	_ =	sdelay $0x1  }
0x174: {  	s31 =	sadd.s32 $0x1, s31;
	v0 =	vadd.f32 v0, v1  }
0x175: {  	p0 =	sne.s32 s31, s12  }
.Ltmp6:
0x176: {  	[tilespmem:$0x18200] =	vst v0;
	(pc) =	sbr.rel @p0 .LBB2_1-.Ltmp6, $4  }
0x177: {  	[hbm4b:s11+s3] =	stream.linear.scatter [tilespmem:s30], [sflag:$0x4], $0x80, $0x38;
	[tilespmem:$0x18280] =	vst v63  }
0x178: {  	_ =	swait.ge [sflag:s13], $0x80  }
0x179: {  	[sflag:s13] =	ssyncset.done $0x0  }
0x17a: {  	[sflag:s13] =	ssyncadd.s32 $0xFFFFFF80  }
0x17b: {  	_ =	sfence.sel $0x180000  }
0x17c: {  	[bflag:$0x0] =	sbarrier.arrive $0xFFFF  }
0x17d: {  	_ =	strace $0x90000047  }
0x17e: {  	s0 =	stileid.u32;
	[bflag:$0x2] =	sbarrier.arrive $0xFFFF  }
0x17f: {  	p0 =	sne.s32 s0, $0x0;
	s0 =	rddreg [dreg:$0x4]  }
0x180: {  	s0 =	sadd.s32 @!p0 $0x100000, s0  }
0x181: {  	[sflag:s0] =	ssyncadd.tile.s32 @!p0 $0x1;
	_ =	shalt  }
.Lfunc_end2:
_tile_overlayer_lowered:
.L_overlay_start_2:
0x182: {  	(tag) =	ssettag $0x2  }
0x183: {  	s0 =	rddreg [dreg:$0x0];
	s2 =	stileid.u32  }
0x184: {  	s1 =	rddreg [dreg:$0x1];
	p0 =	sne.s32 s2, $0x0  }
0x185: {  	s3 =	rddreg [dreg:$0x2];
	[bflag:$0x3] =	sbarrier.arrive $0xFFFF;
	s2 =	simm.s32 @!p0 $0x1C04  }
0x186: {  	[timem:s3], [sflag:s2] =	dma.local @!p0 [hbm:s0], s1  }
0x187: {  	s0 =	simm.s32 @!p0 $0x4  }
0x188: {  	_ =	swait.ge @!p0 [sflag:s0], s1  }
0x189: {  	s1 =	ssub.s32 @!p0 $0x0, s1;
	[sflag:s0] =	ssyncset.done @!p0 $0x0  }
0x18a: {  	[sflag:s0] =	ssyncadd.s32 @!p0 s1  }
0x18b: {  	[bflag:$0x3] =	sbarrier.arrive $0xFFFF  }
0x18c: {  	_ =	shalt  }

</sc_bundles>
